<compile_context>
chip_gen: v7x
topology: tpu7x:2x2x1
jax: 0.10.2.dev20260603
libtpu: 0.0.44.dev20260713+nightly
codegen_flags: <defaults>
</compile_context>

<pallas_src>
import functools

import jax
import jax.numpy as jnp
from jax import lax
from jax.experimental import pallas as pl
from jax.experimental.pallas import tpu as pltpu
from jax.experimental.pallas import tpu_sc as plsc

BATCH = 4096
VOCAB = 8192
SEQ = 200
D = 64
NC = 2
NS = 16
NW = NC * NS
BPW = BATCH // NW
L = 16
NG = D // L

_CHUNKS = tuple(16 * k for k in range(SEQ // 16)) + (SEQ - 16,)

_mesh = plsc.VectorSubcoreMesh(
    core_axis_name="c", subcore_axis_name="s", num_cores=NC, num_subcores=NS
)


@functools.partial(
    pl.kernel,
    out_type=jax.ShapeDtypeStruct((BATCH, SEQ, D), jnp.float32),
    mesh=_mesh,
    scratch_types=[
        pltpu.VMEM((SEQ, D), jnp.float32),
        pltpu.VMEM((BPW,), jnp.int32),
        pltpu.VMEM((BPW, D), jnp.float32),
        pltpu.VMEM((BPW, SEQ), jnp.int32),
        pltpu.VMEM((2, SEQ, D), jnp.float32),
        pltpu.VMEM((2, SEQ, D), jnp.float32),
        pltpu.VMEM_SHARED((VOCAB, D), jnp.float32),
        pltpu.SemaphoreType.DMA,
        pltpu.SemaphoreType.DMA,
        pltpu.SemaphoreType.DMA,
        pltpu.SemaphoreType.DMA,
        pltpu.SemaphoreType.DMA,
    ],
    compiler_params=pltpu.CompilerParams(use_tc_tiling_on_sc=False),
)
def _embed(x_hbm, cond_hbm, lat_hbm, ct_hbm, pe_hbm, out_hbm,
           pe_v, ci_v, cr_v, idx_v, rows_v, ob_v, lat_s,
           gsem0, gsem1, osem0, osem1, csem):
    wid = lax.axis_index("s") * NC + lax.axis_index("c")
    base = wid * BPW
    gsems = (gsem0, gsem1)
    osems = (osem0, osem1)

    def gather_descs(buf, j):
        descs = []
        for off in _CHUNKS:
            iv = idx_v[j, pl.ds(off, L)]
            descs.append(pltpu.make_async_copy(
                lat_s.at[iv], rows_v.at[buf, pl.ds(off, L)], gsems[buf]))
        return descs

    def start_gather(buf, j):
        for d in gather_descs(buf, j):
            d.start()

    def wait_gather(buf, j):
        for d in gather_descs(buf, j):
            d.wait()

    def out_desc(buf, j):
        return pltpu.make_async_copy(ob_v.at[buf], out_hbm.at[base + j], osems[buf])

    def compute(buf, j):
        c = [cr_v[j, pl.ds(g * L, L)] for g in range(NG)]

        @pl.loop(0, SEQ)
        def _(s):
            for g in range(NG):
                sl = pl.ds(g * L, L)
                ob_v[buf, s, sl] = rows_v[buf, s, sl] + pe_v[s, sl] + c[g]

    sid = lax.axis_index("s")
    rpt = VOCAB // NS
    pltpu.sync_copy(lat_hbm.at[pl.ds(sid * rpt, rpt)],
                    lat_s.at[pl.ds(sid * rpt, rpt)])
    plsc.subcore_barrier()

    pltpu.sync_copy(pe_hbm, pe_v)
    pltpu.sync_copy(x_hbm.at[pl.ds(base, BPW)], idx_v)
    pltpu.sync_copy(cond_hbm.at[pl.ds(base, BPW)], ci_v)
    pltpu.async_copy(ct_hbm.at[ci_v], cr_v, csem).wait()

    start_gather(0, 0)

    @pl.loop(0, BPW // 2)
    def _(i):
        j0 = 2 * i

        start_gather(1, j0 + 1)
        wait_gather(0, j0)

        @pl.when(i >= 1)
        def _():
            out_desc(0, j0 - 2).wait()
        compute(0, j0)
        out_desc(0, j0).start()

        @pl.when(i < BPW // 2 - 1)
        def _():
            start_gather(0, j0 + 2)
        wait_gather(1, j0 + 1)

        @pl.when(i >= 1)
        def _():
            out_desc(1, j0 - 1).wait()
        compute(1, j0 + 1)
        out_desc(1, j0 + 1).start()

    out_desc(0, BPW - 2).wait()
    out_desc(1, BPW - 1).wait()


def kernel(x, cond, latent_table, cond_table, pe):
    return _embed(x, cond, latent_table, cond_table, pe[:SEQ])

# --- scband reference (transcript-rebuilt; emitter-appended) ---
"""Pipeline reference for scband-latent-embedding-cond-55207509623149 (READ-ONLY COPY).

The authoritative reference and input builder live on the scoring server;
editing this copy changes nothing except your own understanding.
"""

import jax, jax.numpy as jnp
import numpy as np
import math

INPUT_SIZE = 8192
D_MODEL = 64
COND_SIZE = 1000
BATCH = 4096
SEQ_LEN = 200


def make_pe(max_len, d_model):
    position = np.arange(0, max_len, dtype=np.float32)[:, None]
    div_term = np.exp(np.arange(0, d_model, 2, dtype=np.float32) * -(math.log(10000.0) / d_model))
    pe = np.zeros((max_len, d_model), dtype=np.float32)
    pe[:, 0::2] = np.sin(position * div_term)
    pe[:, 1::2] = np.cos(position * div_term)
    return jnp.asarray(pe)


def setup_inputs(seed: int = 0) -> dict:
    key = jax.random.key(seed)
    k1, k2, k3, k4 = jax.random.split(key, 4)
    x = jax.random.randint(k1, (BATCH, SEQ_LEN), 0, INPUT_SIZE, dtype=jnp.int64 if jax.config.jax_enable_x64 else jnp.int32)
    cond = jax.random.randint(k2, (BATCH,), 0, COND_SIZE, dtype=jnp.int64 if jax.config.jax_enable_x64 else jnp.int32)
    latent_table = jax.random.normal(k3, (INPUT_SIZE, D_MODEL), dtype=jnp.float32)
    cond_table = jax.random.normal(k4, (COND_SIZE, D_MODEL), dtype=jnp.float32)
    pe = make_pe(INPUT_SIZE, D_MODEL)
    return {"x": x, "cond": cond, "latent_table": latent_table, "cond_table": cond_table, "pe": pe}


def reference(x, cond, latent_table, cond_table, pe):
    seq_len = x.shape[1]
    # latent embedding lookup (gather) + positional embedding buffer slice
    x_embed = jnp.take(latent_table, x, axis=0) + pe[None, :seq_len, :]
    # cond embedding lookup, broadcast along seq dim (equivalent to unsqueeze+repeat)
    c = jnp.take(cond_table, cond, axis=0)[:, None, :]
    return x_embed + c

if __name__ == "__main__":
    import jax
    _d = setup_inputs()
    print(jax.jit(kernel)(*tuple(_d.values())))

</pallas_src>

<mosaic_0001>
#map = affine_map<(d0, d1) -> (0, 0)>
#map1 = affine_map<(d0, d1) -> (0)>
#map2 = affine_map<(d0, d1) -> (0, 0, 0)>
module attributes {stable_mosaic.version = 14 : i64} {
  func.func @_embed(%arg0: i32, %arg1: i32, %arg2: memref<4096x200xi32, #tpu.memory_space<hbm>>, %arg3: memref<4096xi32, #tpu.memory_space<hbm>>, %arg4: memref<8192x64xf32, #tpu.memory_space<hbm>>, %arg5: memref<1000x64xf32, #tpu.memory_space<hbm>>, %arg6: memref<200x64xf32, #tpu.memory_space<hbm>>, %arg7: memref<4096x200x64xf32, #tpu.memory_space<hbm>>, %arg8: memref<200x64xf32, #tpu.memory_space<vmem>>, %arg9: memref<128xi32, #tpu.memory_space<vmem>>, %arg10: memref<128x64xf32, #tpu.memory_space<vmem>>, %arg11: memref<128x200xi32, #tpu.memory_space<vmem>>, %arg12: memref<2x200x64xf32, #tpu.memory_space<vmem>>, %arg13: memref<2x200x64xf32, #tpu.memory_space<vmem>>, %arg14: memref<8192x64xf32, #tpu.memory_space<vmem_shared>>, %arg15: memref<!tpu.dma_semaphore, #tpu.memory_space<semaphore_mem>>, %arg16: memref<!tpu.dma_semaphore, #tpu.memory_space<semaphore_mem>>, %arg17: memref<!tpu.dma_semaphore, #tpu.memory_space<semaphore_mem>>, %arg18: memref<!tpu.dma_semaphore, #tpu.memory_space<semaphore_mem>>, %arg19: memref<!tpu.dma_semaphore, #tpu.memory_space<semaphore_mem>>) attributes {dimension_semantics = [#tpu.dimension_semantics<core_parallel>, #tpu.dimension_semantics<subcore_parallel>], iteration_bounds = array<i64: 2, 16>, scalar_prefetch = 0 : i64, scratch_operands = 12 : i64, tpu.core_type = #tpu.core_type<sc_vector_subcore>, window_params = [{transform_indices = #map}, {transform_indices = #map1}, {transform_indices = #map}, {transform_indices = #map}, {transform_indices = #map}, {transform_indices = #map2}]} {
    %mul3A = arith.constant 2 : i32
    %mul3A_0 = arith.muli %arg1, %mul3A : i32
    %add3A = arith.addi %mul3A_0, %arg0 : i32
    %mul3A_1 = arith.constant 128 : i32
    %mul3A_2 = arith.muli %add3A, %mul3A_1 : i32
    %mul3A_3 = arith.constant 512 : i32
    %mul3A_4 = arith.muli %arg1, %mul3A_3 : i32
    %mul3A_5 = arith.constant 512 : i32
    %mul3A_6 = arith.muli %arg1, %mul3A_5 : i32
    "tpu.region"() ({
      %run_scoped3A = tpu.sem_alloc : memref<!tpu.dma_semaphore, #tpu.memory_space<semaphore_mem>>
      %dma_start3A_221 = arith.constant 0 : i32
      %dma_start3A_222 = tpu.memref_slice %arg14[%mul3A_6, %dma_start3A_221] : memref<8192x64xf32, #tpu.memory_space<vmem_shared>> -> memref<512x64xf32, #tpu.memory_space<vmem_shared>>
      %dma_start3A_223 = arith.constant 0 : i32
      %dma_start3A_224 = tpu.memref_slice %arg4[%mul3A_4, %dma_start3A_223] : memref<8192x64xf32, #tpu.memory_space<hbm>> -> memref<512x64xf32, #tpu.memory_space<hbm>>
      tpu.enqueue_dma source(%dma_start3A_224 : memref<512x64xf32, #tpu.memory_space<hbm>>) target(%dma_start3A_222 : memref<512x64xf32, #tpu.memory_space<vmem_shared>>) target_semaphore(%run_scoped3A : memref<!tpu.dma_semaphore, #tpu.memory_space<semaphore_mem>>)
      %dma_wait3A_225 = arith.constant 0 : i32
      %dma_wait3A_226 = tpu.memref_slice %arg14[%mul3A_6, %dma_wait3A_225] : memref<8192x64xf32, #tpu.memory_space<vmem_shared>> -> memref<512x64xf32, #tpu.memory_space<vmem_shared>>
      %dma_wait3A_227 = arith.constant 0 : i32
      %dma_wait3A_228 = tpu.memref_slice %arg4[%mul3A_4, %dma_wait3A_227] : memref<8192x64xf32, #tpu.memory_space<hbm>> -> memref<512x64xf32, #tpu.memory_space<hbm>>
      tpu.wait_dma2 semaphore(%run_scoped3A : memref<!tpu.dma_semaphore, #tpu.memory_space<semaphore_mem>>) src(%dma_wait3A_228 : memref<512x64xf32, #tpu.memory_space<hbm>>) dst(%dma_wait3A_226 : memref<512x64xf32, #tpu.memory_space<vmem_shared>>)
      tpu.yield
    }) : () -> ()
    %barrier3A = arith.constant 0 : index
    tpu.barrier barrier_id(%barrier3A)
    "tpu.region"() ({
      %run_scoped3A = tpu.sem_alloc : memref<!tpu.dma_semaphore, #tpu.memory_space<semaphore_mem>>
      tpu.enqueue_dma source(%arg6 : memref<200x64xf32, #tpu.memory_space<hbm>>) target(%arg8 : memref<200x64xf32, #tpu.memory_space<vmem>>) target_semaphore(%run_scoped3A : memref<!tpu.dma_semaphore, #tpu.memory_space<semaphore_mem>>)
      tpu.wait_dma2 semaphore(%run_scoped3A : memref<!tpu.dma_semaphore, #tpu.memory_space<semaphore_mem>>) src(%arg6 : memref<200x64xf32, #tpu.memory_space<hbm>>) dst(%arg8 : memref<200x64xf32, #tpu.memory_space<vmem>>)
      tpu.yield
    }) : () -> ()
    "tpu.region"() ({
      %run_scoped3A = tpu.sem_alloc : memref<!tpu.dma_semaphore, #tpu.memory_space<semaphore_mem>>
      %dma_start3A_221 = arith.constant 0 : i32
      %dma_start3A_222 = tpu.memref_slice %arg2[%mul3A_2, %dma_start3A_221] : memref<4096x200xi32, #tpu.memory_space<hbm>> -> memref<128x200xi32, #tpu.memory_space<hbm>>
      %dma_start3A_223 = arith.constant 0 : i32
      %dma_start3A_224 = tpu.memref_slice %arg2[%mul3A_2, %dma_start3A_223] : memref<4096x200xi32, #tpu.memory_space<hbm>> -> memref<128x200xi32, #tpu.memory_space<hbm>>
      tpu.enqueue_dma source(%dma_start3A_224 : memref<128x200xi32, #tpu.memory_space<hbm>>) target(%arg11 : memref<128x200xi32, #tpu.memory_space<vmem>>) target_semaphore(%run_scoped3A : memref<!tpu.dma_semaphore, #tpu.memory_space<semaphore_mem>>)
      %dma_wait3A_225 = arith.constant 0 : i32
      %dma_wait3A_226 = tpu.memref_slice %arg2[%mul3A_2, %dma_wait3A_225] : memref<4096x200xi32, #tpu.memory_space<hbm>> -> memref<128x200xi32, #tpu.memory_space<hbm>>
      %dma_wait3A_227 = arith.constant 0 : i32
      %dma_wait3A_228 = tpu.memref_slice %arg2[%mul3A_2, %dma_wait3A_227] : memref<4096x200xi32, #tpu.memory_space<hbm>> -> memref<128x200xi32, #tpu.memory_space<hbm>>
      tpu.wait_dma2 semaphore(%run_scoped3A : memref<!tpu.dma_semaphore, #tpu.memory_space<semaphore_mem>>) src(%dma_wait3A_228 : memref<128x200xi32, #tpu.memory_space<hbm>>) dst(%arg11 : memref<128x200xi32, #tpu.memory_space<vmem>>)
      tpu.yield
    }) : () -> ()
    "tpu.region"() ({
      %run_scoped3A = tpu.sem_alloc : memref<!tpu.dma_semaphore, #tpu.memory_space<semaphore_mem>>
      %dma_start3A_221 = tpu.memref_slice %arg3[%mul3A_2] : memref<4096xi32, #tpu.memory_space<hbm>> -> memref<128xi32, #tpu.memory_space<hbm>>
      %dma_start3A_222 = tpu.memref_slice %arg3[%mul3A_2] : memref<4096xi32, #tpu.memory_space<hbm>> -> memref<128xi32, #tpu.memory_space<hbm>>
      tpu.enqueue_dma source(%dma_start3A_222 : memref<128xi32, #tpu.memory_space<hbm>>) target(%arg9 : memref<128xi32, #tpu.memory_space<vmem>>) target_semaphore(%run_scoped3A : memref<!tpu.dma_semaphore, #tpu.memory_space<semaphore_mem>>)
      %dma_wait3A_223 = tpu.memref_slice %arg3[%mul3A_2] : memref<4096xi32, #tpu.memory_space<hbm>> -> memref<128xi32, #tpu.memory_space<hbm>>
      %dma_wait3A_224 = tpu.memref_slice %arg3[%mul3A_2] : memref<4096xi32, #tpu.memory_space<hbm>> -> memref<128xi32, #tpu.memory_space<hbm>>
      tpu.wait_dma2 semaphore(%run_scoped3A : memref<!tpu.dma_semaphore, #tpu.memory_space<semaphore_mem>>) src(%dma_wait3A_224 : memref<128xi32, #tpu.memory_space<hbm>>) dst(%arg9 : memref<128xi32, #tpu.memory_space<vmem>>)
      tpu.yield
    }) : () -> ()
    %dma_start3A = arith.constant 0 : i32
    %dma_start3A_7 = arith.constant 0 : i32
    %dma_start3A_8 = tpu.memref_slice %arg5[%dma_start3A, %dma_start3A_7] : memref<1000x64xf32, #tpu.memory_space<hbm>> -> memref<1000x64xf32, #tpu.memory_space<hbm>>
    tpu.enqueue_indirect_dma source(%dma_start3A_8 : memref<1000x64xf32, #tpu.memory_space<hbm>>) target(%arg10 : memref<128x64xf32, #tpu.memory_space<vmem>>) offsets(%arg9 : memref<128xi32, #tpu.memory_space<vmem>>) semaphore(%arg19 : memref<!tpu.dma_semaphore, #tpu.memory_space<semaphore_mem>>)
    %dma_wait3A = arith.constant 0 : i32
    %dma_wait3A_9 = arith.constant 0 : i32
    %dma_wait3A_10 = tpu.memref_slice %arg5[%dma_wait3A, %dma_wait3A_9] : memref<1000x64xf32, #tpu.memory_space<hbm>> -> memref<1000x64xf32, #tpu.memory_space<hbm>>
    tpu.wait_indirect_dma semaphore(%arg19 : memref<!tpu.dma_semaphore, #tpu.memory_space<semaphore_mem>>) src(%dma_wait3A_10 : memref<1000x64xf32, #tpu.memory_space<hbm>>) dst(%arg10 : memref<128x64xf32, #tpu.memory_space<vmem>>)
    %get3A = arith.constant 0 : i32
    %get3A_11 = arith.index_cast %get3A : i32 to index
    %get3A_12 = arith.constant 0 : index
    %get3A_13 = tpu.vector_load %arg11[%get3A_11, %get3A_12] {strides = array<i32>} : memref<128x200xi32, #tpu.memory_space<vmem>>, vector<1x16xi32>,
    %get3A_14 = vector.shape_cast %get3A_13 : vector<1x16xi32> to vector<16xi32>
    %get3A_15 = arith.constant 0 : i32
    %get3A_16 = arith.index_cast %get3A_15 : i32 to index
    %get3A_17 = arith.constant 16 : index
    %get3A_18 = tpu.vector_load %arg11[%get3A_16, %get3A_17] {strides = array<i32>} : memref<128x200xi32, #tpu.memory_space<vmem>>, vector<1x16xi32>,
    %get3A_19 = vector.shape_cast %get3A_18 : vector<1x16xi32> to vector<16xi32>
    %get3A_20 = arith.constant 0 : i32
    %get3A_21 = arith.index_cast %get3A_20 : i32 to index
    %get3A_22 = arith.constant 32 : index
    %get3A_23 = tpu.vector_load %arg11[%get3A_21, %get3A_22] {strides = array<i32>} : memref<128x200xi32, #tpu.memory_space<vmem>>, vector<1x16xi32>,
    %get3A_24 = vector.shape_cast %get3A_23 : vector<1x16xi32> to vector<16xi32>
    %get3A_25 = arith.constant 0 : i32
    %get3A_26 = arith.index_cast %get3A_25 : i32 to index
    %get3A_27 = arith.constant 48 : index
    %get3A_28 = tpu.vector_load %arg11[%get3A_26, %get3A_27] {strides = array<i32>} : memref<128x200xi32, #tpu.memory_space<vmem>>, vector<1x16xi32>,
    %get3A_29 = vector.shape_cast %get3A_28 : vector<1x16xi32> to vector<16xi32>
    %get3A_30 = arith.constant 0 : i32
    %get3A_31 = arith.index_cast %get3A_30 : i32 to index
    %get3A_32 = arith.constant 64 : index
    %get3A_33 = tpu.vector_load %arg11[%get3A_31, %get3A_32] {strides = array<i32>} : memref<128x200xi32, #tpu.memory_space<vmem>>, vector<1x16xi32>,
    %get3A_34 = vector.shape_cast %get3A_33 : vector<1x16xi32> to vector<16xi32>
    %get3A_35 = arith.constant 0 : i32
    %get3A_36 = arith.index_cast %get3A_35 : i32 to index
    %get3A_37 = arith.constant 80 : index
    %get3A_38 = tpu.vector_load %arg11[%get3A_36, %get3A_37] {strides = array<i32>} : memref<128x200xi32, #tpu.memory_space<vmem>>, vector<1x16xi32>,
    %get3A_39 = vector.shape_cast %get3A_38 : vector<1x16xi32> to vector<16xi32>
    %get3A_40 = arith.constant 0 : i32
    %get3A_41 = arith.index_cast %get3A_40 : i32 to index
    %get3A_42 = arith.constant 96 : index
    %get3A_43 = tpu.vector_load %arg11[%get3A_41, %get3A_42] {strides = array<i32>} : memref<128x200xi32, #tpu.memory_space<vmem>>, vector<1x16xi32>,
    %get3A_44 = vector.shape_cast %get3A_43 : vector<1x16xi32> to vector<16xi32>
    %get3A_45 = arith.constant 0 : i32
    %get3A_46 = arith.index_cast %get3A_45 : i32 to index
    %get3A_47 = arith.constant 112 : index
    %get3A_48 = tpu.vector_load %arg11[%get3A_46, %get3A_47] {strides = array<i32>} : memref<128x200xi32, #tpu.memory_space<vmem>>, vector<1x16xi32>,
    %get3A_49 = vector.shape_cast %get3A_48 : vector<1x16xi32> to vector<16xi32>
    %get3A_50 = arith.constant 0 : i32
    %get3A_51 = arith.index_cast %get3A_50 : i32 to index
    %get3A_52 = arith.constant 128 : index
    %get3A_53 = tpu.vector_load %arg11[%get3A_51, %get3A_52] {strides = array<i32>} : memref<128x200xi32, #tpu.memory_space<vmem>>, vector<1x16xi32>,
    %get3A_54 = vector.shape_cast %get3A_53 : vector<1x16xi32> to vector<16xi32>
    %get3A_55 = arith.constant 0 : i32
    %get3A_56 = arith.index_cast %get3A_55 : i32 to index
    %get3A_57 = arith.constant 144 : index
    %get3A_58 = tpu.vector_load %arg11[%get3A_56, %get3A_57] {strides = array<i32>} : memref<128x200xi32, #tpu.memory_space<vmem>>, vector<1x16xi32>,
    %get3A_59 = vector.shape_cast %get3A_58 : vector<1x16xi32> to vector<16xi32>
    %get3A_60 = arith.constant 0 : i32
    %get3A_61 = arith.index_cast %get3A_60 : i32 to index
    %get3A_62 = arith.constant 160 : index
    %get3A_63 = tpu.vector_load %arg11[%get3A_61, %get3A_62] {strides = array<i32>} : memref<128x200xi32, #tpu.memory_space<vmem>>, vector<1x16xi32>,
    %get3A_64 = vector.shape_cast %get3A_63 : vector<1x16xi32> to vector<16xi32>
    %get3A_65 = arith.constant 0 : i32
    %get3A_66 = arith.index_cast %get3A_65 : i32 to index
    %get3A_67 = arith.constant 176 : index
    %get3A_68 = tpu.vector_load %arg11[%get3A_66, %get3A_67] {strides = array<i32>} : memref<128x200xi32, #tpu.memory_space<vmem>>, vector<1x16xi32>,
    %get3A_69 = vector.shape_cast %get3A_68 : vector<1x16xi32> to vector<16xi32>
    %get3A_70 = arith.constant 0 : i32
    %get3A_71 = arith.index_cast %get3A_70 : i32 to index
    %get3A_72 = arith.constant 184 : index
    %get3A_73 = tpu.vector_load %arg11[%get3A_71, %get3A_72] {strides = array<i32>} : memref<128x200xi32, #tpu.memory_space<vmem>>, vector<1x16xi32>,
    %get3A_74 = vector.shape_cast %get3A_73 : vector<1x16xi32> to vector<16xi32>
    %dma_start3A_75 = arith.constant 0 : i32
    %dma_start3A_76 = arith.constant 0 : i32
    %dma_start3A_77 = arith.constant 0 : i32
    %dma_start3A_78 = tpu.memref_slice %arg12[%dma_start3A_75, %dma_start3A_76, %dma_start3A_77] : memref<2x200x64xf32, #tpu.memory_space<vmem>> -> memref<1x16x64xf32, #tpu.memory_space<vmem>>
    %dma_start3A_79 = tpu.memref_squeeze %dma_start3A_78 : memref<1x16x64xf32, #tpu.memory_space<vmem>> -> memref<16x64xf32, #tpu.memory_space<vmem>>
    %dma_start3A_80 = arith.constant 0 : i32
    %dma_start3A_81 = arith.constant 0 : i32
    %dma_start3A_82 = tpu.memref_slice %arg14[%dma_start3A_80, %dma_start3A_81] : memref<8192x64xf32, #tpu.memory_space<vmem_shared>> -> memref<8192x64xf32, #tpu.memory_space<vmem_shared>>
    tpu.enqueue_indirect_dma source(%dma_start3A_82 : memref<8192x64xf32, #tpu.memory_space<vmem_shared>>) target(%dma_start3A_79 : memref<16x64xf32, #tpu.memory_space<vmem>>) offsets(%get3A_14 : vector<16xi32>) semaphore(%arg15 : memref<!tpu.dma_semaphore, #tpu.memory_space<semaphore_mem>>)
    %dma_start3A_83 = arith.constant 0 : i32
    %dma_start3A_84 = arith.constant 16 : i32
    %dma_start3A_85 = arith.constant 0 : i32
    %dma_start3A_86 = tpu.memref_slice %arg12[%dma_start3A_83, %dma_start3A_84, %dma_start3A_85] : memref<2x200x64xf32, #tpu.memory_space<vmem>> -> memref<1x16x64xf32, #tpu.memory_space<vmem>>
    %dma_start3A_87 = tpu.memref_squeeze %dma_start3A_86 : memref<1x16x64xf32, #tpu.memory_space<vmem>> -> memref<16x64xf32, #tpu.memory_space<vmem>>
    %dma_start3A_88 = arith.constant 0 : i32
    %dma_start3A_89 = arith.constant 0 : i32
    %dma_start3A_90 = tpu.memref_slice %arg14[%dma_start3A_88, %dma_start3A_89] : memref<8192x64xf32, #tpu.memory_space<vmem_shared>> -> memref<8192x64xf32, #tpu.memory_space<vmem_shared>>
    tpu.enqueue_indirect_dma source(%dma_start3A_90 : memref<8192x64xf32, #tpu.memory_space<vmem_shared>>) target(%dma_start3A_87 : memref<16x64xf32, #tpu.memory_space<vmem>>) offsets(%get3A_19 : vector<16xi32>) semaphore(%arg15 : memref<!tpu.dma_semaphore, #tpu.memory_space<semaphore_mem>>)
    %dma_start3A_91 = arith.constant 0 : i32
    %dma_start3A_92 = arith.constant 32 : i32
    %dma_start3A_93 = arith.constant 0 : i32
    %dma_start3A_94 = tpu.memref_slice %arg12[%dma_start3A_91, %dma_start3A_92, %dma_start3A_93] : memref<2x200x64xf32, #tpu.memory_space<vmem>> -> memref<1x16x64xf32, #tpu.memory_space<vmem>>
    %dma_start3A_95 = tpu.memref_squeeze %dma_start3A_94 : memref<1x16x64xf32, #tpu.memory_space<vmem>> -> memref<16x64xf32, #tpu.memory_space<vmem>>
    %dma_start3A_96 = arith.constant 0 : i32
    %dma_start3A_97 = arith.constant 0 : i32
    %dma_start3A_98 = tpu.memref_slice %arg14[%dma_start3A_96, %dma_start3A_97] : memref<8192x64xf32, #tpu.memory_space<vmem_shared>> -> memref<8192x64xf32, #tpu.memory_space<vmem_shared>>
    tpu.enqueue_indirect_dma source(%dma_start3A_98 : memref<8192x64xf32, #tpu.memory_space<vmem_shared>>) target(%dma_start3A_95 : memref<16x64xf32, #tpu.memory_space<vmem>>) offsets(%get3A_24 : vector<16xi32>) semaphore(%arg15 : memref<!tpu.dma_semaphore, #tpu.memory_space<semaphore_mem>>)
    %dma_start3A_99 = arith.constant 0 : i32
    %dma_start3A_100 = arith.constant 48 : i32
    %dma_start3A_101 = arith.constant 0 : i32
    %dma_start3A_102 = tpu.memref_slice %arg12[%dma_start3A_99, %dma_start3A_100, %dma_start3A_101] : memref<2x200x64xf32, #tpu.memory_space<vmem>> -> memref<1x16x64xf32, #tpu.memory_space<vmem>>
    %dma_start3A_103 = tpu.memref_squeeze %dma_start3A_102 : memref<1x16x64xf32, #tpu.memory_space<vmem>> -> memref<16x64xf32, #tpu.memory_space<vmem>>
    %dma_start3A_104 = arith.constant 0 : i32
    %dma_start3A_105 = arith.constant 0 : i32
    %dma_start3A_106 = tpu.memref_slice %arg14[%dma_start3A_104, %dma_start3A_105] : memref<8192x64xf32, #tpu.memory_space<vmem_shared>> -> memref<8192x64xf32, #tpu.memory_space<vmem_shared>>
    tpu.enqueue_indirect_dma source(%dma_start3A_106 : memref<8192x64xf32, #tpu.memory_space<vmem_shared>>) target(%dma_start3A_103 : memref<16x64xf32, #tpu.memory_space<vmem>>) offsets(%get3A_29 : vector<16xi32>) semaphore(%arg15 : memref<!tpu.dma_semaphore, #tpu.memory_space<semaphore_mem>>)
    %dma_start3A_107 = arith.constant 0 : i32
    %dma_start3A_108 = arith.constant 64 : i32
    %dma_start3A_109 = arith.constant 0 : i32
    %dma_start3A_110 = tpu.memref_slice %arg12[%dma_start3A_107, %dma_start3A_108, %dma_start3A_109] : memref<2x200x64xf32, #tpu.memory_space<vmem>> -> memref<1x16x64xf32, #tpu.memory_space<vmem>>
    %dma_start3A_111 = tpu.memref_squeeze %dma_start3A_110 : memref<1x16x64xf32, #tpu.memory_space<vmem>> -> memref<16x64xf32, #tpu.memory_space<vmem>>
    %dma_start3A_112 = arith.constant 0 : i32
    %dma_start3A_113 = arith.constant 0 : i32
    %dma_start3A_114 = tpu.memref_slice %arg14[%dma_start3A_112, %dma_start3A_113] : memref<8192x64xf32, #tpu.memory_space<vmem_shared>> -> memref<8192x64xf32, #tpu.memory_space<vmem_shared>>
    tpu.enqueue_indirect_dma source(%dma_start3A_114 : memref<8192x64xf32, #tpu.memory_space<vmem_shared>>) target(%dma_start3A_111 : memref<16x64xf32, #tpu.memory_space<vmem>>) offsets(%get3A_34 : vector<16xi32>) semaphore(%arg15 : memref<!tpu.dma_semaphore, #tpu.memory_space<semaphore_mem>>)
    %dma_start3A_115 = arith.constant 0 : i32
    %dma_start3A_116 = arith.constant 80 : i32
    %dma_start3A_117 = arith.constant 0 : i32
    %dma_start3A_118 = tpu.memref_slice %arg12[%dma_start3A_115, %dma_start3A_116, %dma_start3A_117] : memref<2x200x64xf32, #tpu.memory_space<vmem>> -> memref<1x16x64xf32, #tpu.memory_space<vmem>>
    %dma_start3A_119 = tpu.memref_squeeze %dma_start3A_118 : memref<1x16x64xf32, #tpu.memory_space<vmem>> -> memref<16x64xf32, #tpu.memory_space<vmem>>
    %dma_start3A_120 = arith.constant 0 : i32
    %dma_start3A_121 = arith.constant 0 : i32
    %dma_start3A_122 = tpu.memref_slice %arg14[%dma_start3A_120, %dma_start3A_121] : memref<8192x64xf32, #tpu.memory_space<vmem_shared>> -> memref<8192x64xf32, #tpu.memory_space<vmem_shared>>
    tpu.enqueue_indirect_dma source(%dma_start3A_122 : memref<8192x64xf32, #tpu.memory_space<vmem_shared>>) target(%dma_start3A_119 : memref<16x64xf32, #tpu.memory_space<vmem>>) offsets(%get3A_39 : vector<16xi32>) semaphore(%arg15 : memref<!tpu.dma_semaphore, #tpu.memory_space<semaphore_mem>>)
    %dma_start3A_123 = arith.constant 0 : i32
    %dma_start3A_124 = arith.constant 96 : i32
    %dma_start3A_125 = arith.constant 0 : i32
    %dma_start3A_126 = tpu.memref_slice %arg12[%dma_start3A_123, %dma_start3A_124, %dma_start3A_125] : memref<2x200x64xf32, #tpu.memory_space<vmem>> -> memref<1x16x64xf32, #tpu.memory_space<vmem>>
    %dma_start3A_127 = tpu.memref_squeeze %dma_start3A_126 : memref<1x16x64xf32, #tpu.memory_space<vmem>> -> memref<16x64xf32, #tpu.memory_space<vmem>>
    %dma_start3A_128 = arith.constant 0 : i32
    %dma_start3A_129 = arith.constant 0 : i32
    %dma_start3A_130 = tpu.memref_slice %arg14[%dma_start3A_128, %dma_start3A_129] : memref<8192x64xf32, #tpu.memory_space<vmem_shared>> -> memref<8192x64xf32, #tpu.memory_space<vmem_shared>>
    tpu.enqueue_indirect_dma source(%dma_start3A_130 : memref<8192x64xf32, #tpu.memory_space<vmem_shared>>) target(%dma_start3A_127 : memref<16x64xf32, #tpu.memory_space<vmem>>) offsets(%get3A_44 : vector<16xi32>) semaphore(%arg15 : memref<!tpu.dma_semaphore, #tpu.memory_space<semaphore_mem>>)
    %dma_start3A_131 = arith.constant 0 : i32
    %dma_start3A_132 = arith.constant 112 : i32
    %dma_start3A_133 = arith.constant 0 : i32
    %dma_start3A_134 = tpu.memref_slice %arg12[%dma_start3A_131, %dma_start3A_132, %dma_start3A_133] : memref<2x200x64xf32, #tpu.memory_space<vmem>> -> memref<1x16x64xf32, #tpu.memory_space<vmem>>
    %dma_start3A_135 = tpu.memref_squeeze %dma_start3A_134 : memref<1x16x64xf32, #tpu.memory_space<vmem>> -> memref<16x64xf32, #tpu.memory_space<vmem>>
    %dma_start3A_136 = arith.constant 0 : i32
    %dma_start3A_137 = arith.constant 0 : i32
    %dma_start3A_138 = tpu.memref_slice %arg14[%dma_start3A_136, %dma_start3A_137] : memref<8192x64xf32, #tpu.memory_space<vmem_shared>> -> memref<8192x64xf32, #tpu.memory_space<vmem_shared>>
    tpu.enqueue_indirect_dma source(%dma_start3A_138 : memref<8192x64xf32, #tpu.memory_space<vmem_shared>>) target(%dma_start3A_135 : memref<16x64xf32, #tpu.memory_space<vmem>>) offsets(%get3A_49 : vector<16xi32>) semaphore(%arg15 : memref<!tpu.dma_semaphore, #tpu.memory_space<semaphore_mem>>)
    %dma_start3A_139 = arith.constant 0 : i32
    %dma_start3A_140 = arith.constant 128 : i32
    %dma_start3A_141 = arith.constant 0 : i32
    %dma_start3A_142 = tpu.memref_slice %arg12[%dma_start3A_139, %dma_start3A_140, %dma_start3A_141] : memref<2x200x64xf32, #tpu.memory_space<vmem>> -> memref<1x16x64xf32, #tpu.memory_space<vmem>>
    %dma_start3A_143 = tpu.memref_squeeze %dma_start3A_142 : memref<1x16x64xf32, #tpu.memory_space<vmem>> -> memref<16x64xf32, #tpu.memory_space<vmem>>
    %dma_start3A_144 = arith.constant 0 : i32
    %dma_start3A_145 = arith.constant 0 : i32
    %dma_start3A_146 = tpu.memref_slice %arg14[%dma_start3A_144, %dma_start3A_145] : memref<8192x64xf32, #tpu.memory_space<vmem_shared>> -> memref<8192x64xf32, #tpu.memory_space<vmem_shared>>
    tpu.enqueue_indirect_dma source(%dma_start3A_146 : memref<8192x64xf32, #tpu.memory_space<vmem_shared>>) target(%dma_start3A_143 : memref<16x64xf32, #tpu.memory_space<vmem>>) offsets(%get3A_54 : vector<16xi32>) semaphore(%arg15 : memref<!tpu.dma_semaphore, #tpu.memory_space<semaphore_mem>>)
    %dma_start3A_147 = arith.constant 0 : i32
    %dma_start3A_148 = arith.constant 144 : i32
    %dma_start3A_149 = arith.constant 0 : i32
    %dma_start3A_150 = tpu.memref_slice %arg12[%dma_start3A_147, %dma_start3A_148, %dma_start3A_149] : memref<2x200x64xf32, #tpu.memory_space<vmem>> -> memref<1x16x64xf32, #tpu.memory_space<vmem>>
    %dma_start3A_151 = tpu.memref_squeeze %dma_start3A_150 : memref<1x16x64xf32, #tpu.memory_space<vmem>> -> memref<16x64xf32, #tpu.memory_space<vmem>>
    %dma_start3A_152 = arith.constant 0 : i32
    %dma_start3A_153 = arith.constant 0 : i32
    %dma_start3A_154 = tpu.memref_slice %arg14[%dma_start3A_152, %dma_start3A_153] : memref<8192x64xf32, #tpu.memory_space<vmem_shared>> -> memref<8192x64xf32, #tpu.memory_space<vmem_shared>>
    tpu.enqueue_indirect_dma source(%dma_start3A_154 : memref<8192x64xf32, #tpu.memory_space<vmem_shared>>) target(%dma_start3A_151 : memref<16x64xf32, #tpu.memory_space<vmem>>) offsets(%get3A_59 : vector<16xi32>) semaphore(%arg15 : memref<!tpu.dma_semaphore, #tpu.memory_space<semaphore_mem>>)
    %dma_start3A_155 = arith.constant 0 : i32
    %dma_start3A_156 = arith.constant 160 : i32
    %dma_start3A_157 = arith.constant 0 : i32
    %dma_start3A_158 = tpu.memref_slice %arg12[%dma_start3A_155, %dma_start3A_156, %dma_start3A_157] : memref<2x200x64xf32, #tpu.memory_space<vmem>> -> memref<1x16x64xf32, #tpu.memory_space<vmem>>
    %dma_start3A_159 = tpu.memref_squeeze %dma_start3A_158 : memref<1x16x64xf32, #tpu.memory_space<vmem>> -> memref<16x64xf32, #tpu.memory_space<vmem>>
    %dma_start3A_160 = arith.constant 0 : i32
    %dma_start3A_161 = arith.constant 0 : i32
    %dma_start3A_162 = tpu.memref_slice %arg14[%dma_start3A_160, %dma_start3A_161] : memref<8192x64xf32, #tpu.memory_space<vmem_shared>> -> memref<8192x64xf32, #tpu.memory_space<vmem_shared>>
    tpu.enqueue_indirect_dma source(%dma_start3A_162 : memref<8192x64xf32, #tpu.memory_space<vmem_shared>>) target(%dma_start3A_159 : memref<16x64xf32, #tpu.memory_space<vmem>>) offsets(%get3A_64 : vector<16xi32>) semaphore(%arg15 : memref<!tpu.dma_semaphore, #tpu.memory_space<semaphore_mem>>)
    %dma_start3A_163 = arith.constant 0 : i32
    %dma_start3A_164 = arith.constant 176 : i32
    %dma_start3A_165 = arith.constant 0 : i32
    %dma_start3A_166 = tpu.memref_slice %arg12[%dma_start3A_163, %dma_start3A_164, %dma_start3A_165] : memref<2x200x64xf32, #tpu.memory_space<vmem>> -> memref<1x16x64xf32, #tpu.memory_space<vmem>>
    %dma_start3A_167 = tpu.memref_squeeze %dma_start3A_166 : memref<1x16x64xf32, #tpu.memory_space<vmem>> -> memref<16x64xf32, #tpu.memory_space<vmem>>
    %dma_start3A_168 = arith.constant 0 : i32
    %dma_start3A_169 = arith.constant 0 : i32
    %dma_start3A_170 = tpu.memref_slice %arg14[%dma_start3A_168, %dma_start3A_169] : memref<8192x64xf32, #tpu.memory_space<vmem_shared>> -> memref<8192x64xf32, #tpu.memory_space<vmem_shared>>
    tpu.enqueue_indirect_dma source(%dma_start3A_170 : memref<8192x64xf32, #tpu.memory_space<vmem_shared>>) target(%dma_start3A_167 : memref<16x64xf32, #tpu.memory_space<vmem>>) offsets(%get3A_69 : vector<16xi32>) semaphore(%arg15 : memref<!tpu.dma_semaphore, #tpu.memory_space<semaphore_mem>>)
    %dma_start3A_171 = arith.constant 0 : i32
    %dma_start3A_172 = arith.constant 184 : i32
    %dma_start3A_173 = arith.constant 0 : i32
    %dma_start3A_174 = tpu.memref_slice %arg12[%dma_start3A_171, %dma_start3A_172, %dma_start3A_173] : memref<2x200x64xf32, #tpu.memory_space<vmem>> -> memref<1x16x64xf32, #tpu.memory_space<vmem>>
    %dma_start3A_175 = tpu.memref_squeeze %dma_start3A_174 : memref<1x16x64xf32, #tpu.memory_space<vmem>> -> memref<16x64xf32, #tpu.memory_space<vmem>>
    %dma_start3A_176 = arith.constant 0 : i32
    %dma_start3A_177 = arith.constant 0 : i32
    %dma_start3A_178 = tpu.memref_slice %arg14[%dma_start3A_176, %dma_start3A_177] : memref<8192x64xf32, #tpu.memory_space<vmem_shared>> -> memref<8192x64xf32, #tpu.memory_space<vmem_shared>>
    tpu.enqueue_indirect_dma source(%dma_start3A_178 : memref<8192x64xf32, #tpu.memory_space<vmem_shared>>) target(%dma_start3A_175 : memref<16x64xf32, #tpu.memory_space<vmem>>) offsets(%get3A_74 : vector<16xi32>) semaphore(%arg15 : memref<!tpu.dma_semaphore, #tpu.memory_space<semaphore_mem>>)
    %scan3A = arith.constant 0 : i32
    %scan3A_179 = arith.constant 64 : i32
    %scan3A_180 = arith.addi %scan3A, %scan3A_179 : i32
    %scan3A_181 = arith.constant 1 : i32
    scf.for %scan3A_221 = %scan3A to %scan3A_180 step %scan3A_181  : i32 {
      %mul3A_222 = arith.constant 1 : i32
      %mul3A_223 = arith.muli %scan3A_221, %mul3A_222 : i32
      %add3A_224 = arith.constant 0 : i32
      %add3A_225 = arith.addi %add3A_224, %mul3A_223 : i32
      %mul3A_226 = arith.constant 2 : i32
      %mul3A_227 = arith.muli %mul3A_226, %add3A_225 : i32
      %add3A_228 = arith.constant 1 : i32
      %add3A_229 = arith.addi %mul3A_227, %add3A_228 : i32
      %get3A_230 = arith.index_cast %add3A_229 : i32 to index
      %get3A_231 = arith.constant 0 : index
      %get3A_232 = tpu.vector_load %arg11[%get3A_230, %get3A_231] {strides = array<i32>} : memref<128x200xi32, #tpu.memory_space<vmem>>, vector<1x16xi32>,
      %get3A_233 = vector.shape_cast %get3A_232 : vector<1x16xi32> to vector<16xi32>
      %get3A_234 = arith.index_cast %add3A_229 : i32 to index
      %get3A_235 = arith.constant 16 : index
      %get3A_236 = tpu.vector_load %arg11[%get3A_234, %get3A_235] {strides = array<i32>} : memref<128x200xi32, #tpu.memory_space<vmem>>, vector<1x16xi32>,
      %get3A_237 = vector.shape_cast %get3A_236 : vector<1x16xi32> to vector<16xi32>
      %get3A_238 = arith.index_cast %add3A_229 : i32 to index
      %get3A_239 = arith.constant 32 : index
      %get3A_240 = tpu.vector_load %arg11[%get3A_238, %get3A_239] {strides = array<i32>} : memref<128x200xi32, #tpu.memory_space<vmem>>, vector<1x16xi32>,
      %get3A_241 = vector.shape_cast %get3A_240 : vector<1x16xi32> to vector<16xi32>
      %get3A_242 = arith.index_cast %add3A_229 : i32 to index
      %get3A_243 = arith.constant 48 : index
      %get3A_244 = tpu.vector_load %arg11[%get3A_242, %get3A_243] {strides = array<i32>} : memref<128x200xi32, #tpu.memory_space<vmem>>, vector<1x16xi32>,
      %get3A_245 = vector.shape_cast %get3A_244 : vector<1x16xi32> to vector<16xi32>
      %get3A_246 = arith.index_cast %add3A_229 : i32 to index
      %get3A_247 = arith.constant 64 : index
      %get3A_248 = tpu.vector_load %arg11[%get3A_246, %get3A_247] {strides = array<i32>} : memref<128x200xi32, #tpu.memory_space<vmem>>, vector<1x16xi32>,
      %get3A_249 = vector.shape_cast %get3A_248 : vector<1x16xi32> to vector<16xi32>
      %get3A_250 = arith.index_cast %add3A_229 : i32 to index
      %get3A_251 = arith.constant 80 : index
      %get3A_252 = tpu.vector_load %arg11[%get3A_250, %get3A_251] {strides = array<i32>} : memref<128x200xi32, #tpu.memory_space<vmem>>, vector<1x16xi32>,
      %get3A_253 = vector.shape_cast %get3A_252 : vector<1x16xi32> to vector<16xi32>
      %get3A_254 = arith.index_cast %add3A_229 : i32 to index
      %get3A_255 = arith.constant 96 : index
      %get3A_256 = tpu.vector_load %arg11[%get3A_254, %get3A_255] {strides = array<i32>} : memref<128x200xi32, #tpu.memory_space<vmem>>, vector<1x16xi32>,
      %get3A_257 = vector.shape_cast %get3A_256 : vector<1x16xi32> to vector<16xi32>
      %get3A_258 = arith.index_cast %add3A_229 : i32 to index
      %get3A_259 = arith.constant 112 : index
      %get3A_260 = tpu.vector_load %arg11[%get3A_258, %get3A_259] {strides = array<i32>} : memref<128x200xi32, #tpu.memory_space<vmem>>, vector<1x16xi32>,
      %get3A_261 = vector.shape_cast %get3A_260 : vector<1x16xi32> to vector<16xi32>
      %get3A_262 = arith.index_cast %add3A_229 : i32 to index
      %get3A_263 = arith.constant 128 : index
      %get3A_264 = tpu.vector_load %arg11[%get3A_262, %get3A_263] {strides = array<i32>} : memref<128x200xi32, #tpu.memory_space<vmem>>, vector<1x16xi32>,
      %get3A_265 = vector.shape_cast %get3A_264 : vector<1x16xi32> to vector<16xi32>
      %get3A_266 = arith.index_cast %add3A_229 : i32 to index
      %get3A_267 = arith.constant 144 : index
      %get3A_268 = tpu.vector_load %arg11[%get3A_266, %get3A_267] {strides = array<i32>} : memref<128x200xi32, #tpu.memory_space<vmem>>, vector<1x16xi32>,
      %get3A_269 = vector.shape_cast %get3A_268 : vector<1x16xi32> to vector<16xi32>
      %get3A_270 = arith.index_cast %add3A_229 : i32 to index
      %get3A_271 = arith.constant 160 : index
      %get3A_272 = tpu.vector_load %arg11[%get3A_270, %get3A_271] {strides = array<i32>} : memref<128x200xi32, #tpu.memory_space<vmem>>, vector<1x16xi32>,
      %get3A_273 = vector.shape_cast %get3A_272 : vector<1x16xi32> to vector<16xi32>
      %get3A_274 = arith.index_cast %add3A_229 : i32 to index
      %get3A_275 = arith.constant 176 : index
      %get3A_276 = tpu.vector_load %arg11[%get3A_274, %get3A_275] {strides = array<i32>} : memref<128x200xi32, #tpu.memory_space<vmem>>, vector<1x16xi32>,
      %get3A_277 = vector.shape_cast %get3A_276 : vector<1x16xi32> to vector<16xi32>
      %get3A_278 = arith.index_cast %add3A_229 : i32 to index
      %get3A_279 = arith.constant 184 : index
      %get3A_280 = tpu.vector_load %arg11[%get3A_278, %get3A_279] {strides = array<i32>} : memref<128x200xi32, #tpu.memory_space<vmem>>, vector<1x16xi32>,
      %get3A_281 = vector.shape_cast %get3A_280 : vector<1x16xi32> to vector<16xi32>
      %dma_start3A_282 = arith.constant 1 : i32
      %dma_start3A_283 = arith.constant 0 : i32
      %dma_start3A_284 = arith.constant 0 : i32
      %dma_start3A_285 = tpu.memref_slice %arg12[%dma_start3A_282, %dma_start3A_283, %dma_start3A_284] : memref<2x200x64xf32, #tpu.memory_space<vmem>> -> memref<1x16x64xf32, #tpu.memory_space<vmem>>
      %dma_start3A_286 = tpu.memref_squeeze %dma_start3A_285 : memref<1x16x64xf32, #tpu.memory_space<vmem>> -> memref<16x64xf32, #tpu.memory_space<vmem>>
      %dma_start3A_287 = arith.constant 0 : i32
      %dma_start3A_288 = arith.constant 0 : i32
      %dma_start3A_289 = tpu.memref_slice %arg14[%dma_start3A_287, %dma_start3A_288] : memref<8192x64xf32, #tpu.memory_space<vmem_shared>> -> memref<8192x64xf32, #tpu.memory_space<vmem_shared>>
      tpu.enqueue_indirect_dma source(%dma_start3A_289 : memref<8192x64xf32, #tpu.memory_space<vmem_shared>>) target(%dma_start3A_286 : memref<16x64xf32, #tpu.memory_space<vmem>>) offsets(%get3A_233 : vector<16xi32>) semaphore(%arg16 : memref<!tpu.dma_semaphore, #tpu.memory_space<semaphore_mem>>)
      %dma_start3A_290 = arith.constant 1 : i32
      %dma_start3A_291 = arith.constant 16 : i32
      %dma_start3A_292 = arith.constant 0 : i32
      %dma_start3A_293 = tpu.memref_slice %arg12[%dma_start3A_290, %dma_start3A_291, %dma_start3A_292] : memref<2x200x64xf32, #tpu.memory_space<vmem>> -> memref<1x16x64xf32, #tpu.memory_space<vmem>>
      %dma_start3A_294 = tpu.memref_squeeze %dma_start3A_293 : memref<1x16x64xf32, #tpu.memory_space<vmem>> -> memref<16x64xf32, #tpu.memory_space<vmem>>
      %dma_start3A_295 = arith.constant 0 : i32
      %dma_start3A_296 = arith.constant 0 : i32
      %dma_start3A_297 = tpu.memref_slice %arg14[%dma_start3A_295, %dma_start3A_296] : memref<8192x64xf32, #tpu.memory_space<vmem_shared>> -> memref<8192x64xf32, #tpu.memory_space<vmem_shared>>
      tpu.enqueue_indirect_dma source(%dma_start3A_297 : memref<8192x64xf32, #tpu.memory_space<vmem_shared>>) target(%dma_start3A_294 : memref<16x64xf32, #tpu.memory_space<vmem>>) offsets(%get3A_237 : vector<16xi32>) semaphore(%arg16 : memref<!tpu.dma_semaphore, #tpu.memory_space<semaphore_mem>>)
      %dma_start3A_298 = arith.constant 1 : i32
      %dma_start3A_299 = arith.constant 32 : i32
      %dma_start3A_300 = arith.constant 0 : i32
      %dma_start3A_301 = tpu.memref_slice %arg12[%dma_start3A_298, %dma_start3A_299, %dma_start3A_300] : memref<2x200x64xf32, #tpu.memory_space<vmem>> -> memref<1x16x64xf32, #tpu.memory_space<vmem>>
      %dma_start3A_302 = tpu.memref_squeeze %dma_start3A_301 : memref<1x16x64xf32, #tpu.memory_space<vmem>> -> memref<16x64xf32, #tpu.memory_space<vmem>>
      %dma_start3A_303 = arith.constant 0 : i32
      %dma_start3A_304 = arith.constant 0 : i32
      %dma_start3A_305 = tpu.memref_slice %arg14[%dma_start3A_303, %dma_start3A_304] : memref<8192x64xf32, #tpu.memory_space<vmem_shared>> -> memref<8192x64xf32, #tpu.memory_space<vmem_shared>>
      tpu.enqueue_indirect_dma source(%dma_start3A_305 : memref<8192x64xf32, #tpu.memory_space<vmem_shared>>) target(%dma_start3A_302 : memref<16x64xf32, #tpu.memory_space<vmem>>) offsets(%get3A_241 : vector<16xi32>) semaphore(%arg16 : memref<!tpu.dma_semaphore, #tpu.memory_space<semaphore_mem>>)
      %dma_start3A_306 = arith.constant 1 : i32
      %dma_start3A_307 = arith.constant 48 : i32
      %dma_start3A_308 = arith.constant 0 : i32
      %dma_start3A_309 = tpu.memref_slice %arg12[%dma_start3A_306, %dma_start3A_307, %dma_start3A_308] : memref<2x200x64xf32, #tpu.memory_space<vmem>> -> memref<1x16x64xf32, #tpu.memory_space<vmem>>
      %dma_start3A_310 = tpu.memref_squeeze %dma_start3A_309 : memref<1x16x64xf32, #tpu.memory_space<vmem>> -> memref<16x64xf32, #tpu.memory_space<vmem>>
      %dma_start3A_311 = arith.constant 0 : i32
      %dma_start3A_312 = arith.constant 0 : i32
      %dma_start3A_313 = tpu.memref_slice %arg14[%dma_start3A_311, %dma_start3A_312] : memref<8192x64xf32, #tpu.memory_space<vmem_shared>> -> memref<8192x64xf32, #tpu.memory_space<vmem_shared>>
      tpu.enqueue_indirect_dma source(%dma_start3A_313 : memref<8192x64xf32, #tpu.memory_space<vmem_shared>>) target(%dma_start3A_310 : memref<16x64xf32, #tpu.memory_space<vmem>>) offsets(%get3A_245 : vector<16xi32>) semaphore(%arg16 : memref<!tpu.dma_semaphore, #tpu.memory_space<semaphore_mem>>)
      %dma_start3A_314 = arith.constant 1 : i32
      %dma_start3A_315 = arith.constant 64 : i32
      %dma_start3A_316 = arith.constant 0 : i32
      %dma_start3A_317 = tpu.memref_slice %arg12[%dma_start3A_314, %dma_start3A_315, %dma_start3A_316] : memref<2x200x64xf32, #tpu.memory_space<vmem>> -> memref<1x16x64xf32, #tpu.memory_space<vmem>>
      %dma_start3A_318 = tpu.memref_squeeze %dma_start3A_317 : memref<1x16x64xf32, #tpu.memory_space<vmem>> -> memref<16x64xf32, #tpu.memory_space<vmem>>
      %dma_start3A_319 = arith.constant 0 : i32
      %dma_start3A_320 = arith.constant 0 : i32
      %dma_start3A_321 = tpu.memref_slice %arg14[%dma_start3A_319, %dma_start3A_320] : memref<8192x64xf32, #tpu.memory_space<vmem_shared>> -> memref<8192x64xf32, #tpu.memory_space<vmem_shared>>
      tpu.enqueue_indirect_dma source(%dma_start3A_321 : memref<8192x64xf32, #tpu.memory_space<vmem_shared>>) target(%dma_start3A_318 : memref<16x64xf32, #tpu.memory_space<vmem>>) offsets(%get3A_249 : vector<16xi32>) semaphore(%arg16 : memref<!tpu.dma_semaphore, #tpu.memory_space<semaphore_mem>>)
      %dma_start3A_322 = arith.constant 1 : i32
      %dma_start3A_323 = arith.constant 80 : i32
      %dma_start3A_324 = arith.constant 0 : i32
      %dma_start3A_325 = tpu.memref_slice %arg12[%dma_start3A_322, %dma_start3A_323, %dma_start3A_324] : memref<2x200x64xf32, #tpu.memory_space<vmem>> -> memref<1x16x64xf32, #tpu.memory_space<vmem>>
      %dma_start3A_326 = tpu.memref_squeeze %dma_start3A_325 : memref<1x16x64xf32, #tpu.memory_space<vmem>> -> memref<16x64xf32, #tpu.memory_space<vmem>>
      %dma_start3A_327 = arith.constant 0 : i32
      %dma_start3A_328 = arith.constant 0 : i32
      %dma_start3A_329 = tpu.memref_slice %arg14[%dma_start3A_327, %dma_start3A_328] : memref<8192x64xf32, #tpu.memory_space<vmem_shared>> -> memref<8192x64xf32, #tpu.memory_space<vmem_shared>>
      tpu.enqueue_indirect_dma source(%dma_start3A_329 : memref<8192x64xf32, #tpu.memory_space<vmem_shared>>) target(%dma_start3A_326 : memref<16x64xf32, #tpu.memory_space<vmem>>) offsets(%get3A_253 : vector<16xi32>) semaphore(%arg16 : memref<!tpu.dma_semaphore, #tpu.memory_space<semaphore_mem>>)
      %dma_start3A_330 = arith.constant 1 : i32
      %dma_start3A_331 = arith.constant 96 : i32
      %dma_start3A_332 = arith.constant 0 : i32
      %dma_start3A_333 = tpu.memref_slice %arg12[%dma_start3A_330, %dma_start3A_331, %dma_start3A_332] : memref<2x200x64xf32, #tpu.memory_space<vmem>> -> memref<1x16x64xf32, #tpu.memory_space<vmem>>
      %dma_start3A_334 = tpu.memref_squeeze %dma_start3A_333 : memref<1x16x64xf32, #tpu.memory_space<vmem>> -> memref<16x64xf32, #tpu.memory_space<vmem>>
      %dma_start3A_335 = arith.constant 0 : i32
      %dma_start3A_336 = arith.constant 0 : i32
      %dma_start3A_337 = tpu.memref_slice %arg14[%dma_start3A_335, %dma_start3A_336] : memref<8192x64xf32, #tpu.memory_space<vmem_shared>> -> memref<8192x64xf32, #tpu.memory_space<vmem_shared>>
      tpu.enqueue_indirect_dma source(%dma_start3A_337 : memref<8192x64xf32, #tpu.memory_space<vmem_shared>>) target(%dma_start3A_334 : memref<16x64xf32, #tpu.memory_space<vmem>>) offsets(%get3A_257 : vector<16xi32>) semaphore(%arg16 : memref<!tpu.dma_semaphore, #tpu.memory_space<semaphore_mem>>)
      %dma_start3A_338 = arith.constant 1 : i32
      %dma_start3A_339 = arith.constant 112 : i32
      %dma_start3A_340 = arith.constant 0 : i32
      %dma_start3A_341 = tpu.memref_slice %arg12[%dma_start3A_338, %dma_start3A_339, %dma_start3A_340] : memref<2x200x64xf32, #tpu.memory_space<vmem>> -> memref<1x16x64xf32, #tpu.memory_space<vmem>>
      %dma_start3A_342 = tpu.memref_squeeze %dma_start3A_341 : memref<1x16x64xf32, #tpu.memory_space<vmem>> -> memref<16x64xf32, #tpu.memory_space<vmem>>
      %dma_start3A_343 = arith.constant 0 : i32
      %dma_start3A_344 = arith.constant 0 : i32
      %dma_start3A_345 = tpu.memref_slice %arg14[%dma_start3A_343, %dma_start3A_344] : memref<8192x64xf32, #tpu.memory_space<vmem_shared>> -> memref<8192x64xf32, #tpu.memory_space<vmem_shared>>
      tpu.enqueue_indirect_dma source(%dma_start3A_345 : memref<8192x64xf32, #tpu.memory_space<vmem_shared>>) target(%dma_start3A_342 : memref<16x64xf32, #tpu.memory_space<vmem>>) offsets(%get3A_261 : vector<16xi32>) semaphore(%arg16 : memref<!tpu.dma_semaphore, #tpu.memory_space<semaphore_mem>>)
      %dma_start3A_346 = arith.constant 1 : i32
      %dma_start3A_347 = arith.constant 128 : i32
      %dma_start3A_348 = arith.constant 0 : i32
      %dma_start3A_349 = tpu.memref_slice %arg12[%dma_start3A_346, %dma_start3A_347, %dma_start3A_348] : memref<2x200x64xf32, #tpu.memory_space<vmem>> -> memref<1x16x64xf32, #tpu.memory_space<vmem>>
      %dma_start3A_350 = tpu.memref_squeeze %dma_start3A_349 : memref<1x16x64xf32, #tpu.memory_space<vmem>> -> memref<16x64xf32, #tpu.memory_space<vmem>>
      %dma_start3A_351 = arith.constant 0 : i32
      %dma_start3A_352 = arith.constant 0 : i32
      %dma_start3A_353 = tpu.memref_slice %arg14[%dma_start3A_351, %dma_start3A_352] : memref<8192x64xf32, #tpu.memory_space<vmem_shared>> -> memref<8192x64xf32, #tpu.memory_space<vmem_shared>>
      tpu.enqueue_indirect_dma source(%dma_start3A_353 : memref<8192x64xf32, #tpu.memory_space<vmem_shared>>) target(%dma_start3A_350 : memref<16x64xf32, #tpu.memory_space<vmem>>) offsets(%get3A_265 : vector<16xi32>) semaphore(%arg16 : memref<!tpu.dma_semaphore, #tpu.memory_space<semaphore_mem>>)
      %dma_start3A_354 = arith.constant 1 : i32
      %dma_start3A_355 = arith.constant 144 : i32
      %dma_start3A_356 = arith.constant 0 : i32
      %dma_start3A_357 = tpu.memref_slice %arg12[%dma_start3A_354, %dma_start3A_355, %dma_start3A_356] : memref<2x200x64xf32, #tpu.memory_space<vmem>> -> memref<1x16x64xf32, #tpu.memory_space<vmem>>
      %dma_start3A_358 = tpu.memref_squeeze %dma_start3A_357 : memref<1x16x64xf32, #tpu.memory_space<vmem>> -> memref<16x64xf32, #tpu.memory_space<vmem>>
      %dma_start3A_359 = arith.constant 0 : i32
      %dma_start3A_360 = arith.constant 0 : i32
      %dma_start3A_361 = tpu.memref_slice %arg14[%dma_start3A_359, %dma_start3A_360] : memref<8192x64xf32, #tpu.memory_space<vmem_shared>> -> memref<8192x64xf32, #tpu.memory_space<vmem_shared>>
      tpu.enqueue_indirect_dma source(%dma_start3A_361 : memref<8192x64xf32, #tpu.memory_space<vmem_shared>>) target(%dma_start3A_358 : memref<16x64xf32, #tpu.memory_space<vmem>>) offsets(%get3A_269 : vector<16xi32>) semaphore(%arg16 : memref<!tpu.dma_semaphore, #tpu.memory_space<semaphore_mem>>)
      %dma_start3A_362 = arith.constant 1 : i32
      %dma_start3A_363 = arith.constant 160 : i32
      %dma_start3A_364 = arith.constant 0 : i32
      %dma_start3A_365 = tpu.memref_slice %arg12[%dma_start3A_362, %dma_start3A_363, %dma_start3A_364] : memref<2x200x64xf32, #tpu.memory_space<vmem>> -> memref<1x16x64xf32, #tpu.memory_space<vmem>>
      %dma_start3A_366 = tpu.memref_squeeze %dma_start3A_365 : memref<1x16x64xf32, #tpu.memory_space<vmem>> -> memref<16x64xf32, #tpu.memory_space<vmem>>
      %dma_start3A_367 = arith.constant 0 : i32
      %dma_start3A_368 = arith.constant 0 : i32
      %dma_start3A_369 = tpu.memref_slice %arg14[%dma_start3A_367, %dma_start3A_368] : memref<8192x64xf32, #tpu.memory_space<vmem_shared>> -> memref<8192x64xf32, #tpu.memory_space<vmem_shared>>
      tpu.enqueue_indirect_dma source(%dma_start3A_369 : memref<8192x64xf32, #tpu.memory_space<vmem_shared>>) target(%dma_start3A_366 : memref<16x64xf32, #tpu.memory_space<vmem>>) offsets(%get3A_273 : vector<16xi32>) semaphore(%arg16 : memref<!tpu.dma_semaphore, #tpu.memory_space<semaphore_mem>>)
      %dma_start3A_370 = arith.constant 1 : i32
      %dma_start3A_371 = arith.constant 176 : i32
      %dma_start3A_372 = arith.constant 0 : i32
      %dma_start3A_373 = tpu.memref_slice %arg12[%dma_start3A_370, %dma_start3A_371, %dma_start3A_372] : memref<2x200x64xf32, #tpu.memory_space<vmem>> -> memref<1x16x64xf32, #tpu.memory_space<vmem>>
      %dma_start3A_374 = tpu.memref_squeeze %dma_start3A_373 : memref<1x16x64xf32, #tpu.memory_space<vmem>> -> memref<16x64xf32, #tpu.memory_space<vmem>>
      %dma_start3A_375 = arith.constant 0 : i32
      %dma_start3A_376 = arith.constant 0 : i32
      %dma_start3A_377 = tpu.memref_slice %arg14[%dma_start3A_375, %dma_start3A_376] : memref<8192x64xf32, #tpu.memory_space<vmem_shared>> -> memref<8192x64xf32, #tpu.memory_space<vmem_shared>>
      tpu.enqueue_indirect_dma source(%dma_start3A_377 : memref<8192x64xf32, #tpu.memory_space<vmem_shared>>) target(%dma_start3A_374 : memref<16x64xf32, #tpu.memory_space<vmem>>) offsets(%get3A_277 : vector<16xi32>) semaphore(%arg16 : memref<!tpu.dma_semaphore, #tpu.memory_space<semaphore_mem>>)
      %dma_start3A_378 = arith.constant 1 : i32
      %dma_start3A_379 = arith.constant 184 : i32
      %dma_start3A_380 = arith.constant 0 : i32
      %dma_start3A_381 = tpu.memref_slice %arg12[%dma_start3A_378, %dma_start3A_379, %dma_start3A_380] : memref<2x200x64xf32, #tpu.memory_space<vmem>> -> memref<1x16x64xf32, #tpu.memory_space<vmem>>
      %dma_start3A_382 = tpu.memref_squeeze %dma_start3A_381 : memref<1x16x64xf32, #tpu.memory_space<vmem>> -> memref<16x64xf32, #tpu.memory_space<vmem>>
      %dma_start3A_383 = arith.constant 0 : i32
      %dma_start3A_384 = arith.constant 0 : i32
      %dma_start3A_385 = tpu.memref_slice %arg14[%dma_start3A_383, %dma_start3A_384] : memref<8192x64xf32, #tpu.memory_space<vmem_shared>> -> memref<8192x64xf32, #tpu.memory_space<vmem_shared>>
      tpu.enqueue_indirect_dma source(%dma_start3A_385 : memref<8192x64xf32, #tpu.memory_space<vmem_shared>>) target(%dma_start3A_382 : memref<16x64xf32, #tpu.memory_space<vmem>>) offsets(%get3A_281 : vector<16xi32>) semaphore(%arg16 : memref<!tpu.dma_semaphore, #tpu.memory_space<semaphore_mem>>)
      %get3A_386 = arith.index_cast %mul3A_227 : i32 to index
      %get3A_387 = arith.constant 0 : index
      %get3A_388 = tpu.vector_load %arg11[%get3A_386, %get3A_387] {strides = array<i32>} : memref<128x200xi32, #tpu.memory_space<vmem>>, vector<1x16xi32>,
      %get3A_389 = vector.shape_cast %get3A_388 : vector<1x16xi32> to vector<16xi32>
      %get3A_390 = arith.index_cast %mul3A_227 : i32 to index
      %get3A_391 = arith.constant 16 : index
      %get3A_392 = tpu.vector_load %arg11[%get3A_390, %get3A_391] {strides = array<i32>} : memref<128x200xi32, #tpu.memory_space<vmem>>, vector<1x16xi32>,
      %get3A_393 = vector.shape_cast %get3A_392 : vector<1x16xi32> to vector<16xi32>
      %get3A_394 = arith.index_cast %mul3A_227 : i32 to index
      %get3A_395 = arith.constant 32 : index
      %get3A_396 = tpu.vector_load %arg11[%get3A_394, %get3A_395] {strides = array<i32>} : memref<128x200xi32, #tpu.memory_space<vmem>>, vector<1x16xi32>,
      %get3A_397 = vector.shape_cast %get3A_396 : vector<1x16xi32> to vector<16xi32>
      %get3A_398 = arith.index_cast %mul3A_227 : i32 to index
      %get3A_399 = arith.constant 48 : index
      %get3A_400 = tpu.vector_load %arg11[%get3A_398, %get3A_399] {strides = array<i32>} : memref<128x200xi32, #tpu.memory_space<vmem>>, vector<1x16xi32>,
      %get3A_401 = vector.shape_cast %get3A_400 : vector<1x16xi32> to vector<16xi32>
      %get3A_402 = arith.index_cast %mul3A_227 : i32 to index
      %get3A_403 = arith.constant 64 : index
      %get3A_404 = tpu.vector_load %arg11[%get3A_402, %get3A_403] {strides = array<i32>} : memref<128x200xi32, #tpu.memory_space<vmem>>, vector<1x16xi32>,
      %get3A_405 = vector.shape_cast %get3A_404 : vector<1x16xi32> to vector<16xi32>
      %get3A_406 = arith.index_cast %mul3A_227 : i32 to index
      %get3A_407 = arith.constant 80 : index
      %get3A_408 = tpu.vector_load %arg11[%get3A_406, %get3A_407] {strides = array<i32>} : memref<128x200xi32, #tpu.memory_space<vmem>>, vector<1x16xi32>,
      %get3A_409 = vector.shape_cast %get3A_408 : vector<1x16xi32> to vector<16xi32>
      %get3A_410 = arith.index_cast %mul3A_227 : i32 to index
      %get3A_411 = arith.constant 96 : index
      %get3A_412 = tpu.vector_load %arg11[%get3A_410, %get3A_411] {strides = array<i32>} : memref<128x200xi32, #tpu.memory_space<vmem>>, vector<1x16xi32>,
      %get3A_413 = vector.shape_cast %get3A_412 : vector<1x16xi32> to vector<16xi32>
      %get3A_414 = arith.index_cast %mul3A_227 : i32 to index
      %get3A_415 = arith.constant 112 : index
      %get3A_416 = tpu.vector_load %arg11[%get3A_414, %get3A_415] {strides = array<i32>} : memref<128x200xi32, #tpu.memory_space<vmem>>, vector<1x16xi32>,
      %get3A_417 = vector.shape_cast %get3A_416 : vector<1x16xi32> to vector<16xi32>
      %get3A_418 = arith.index_cast %mul3A_227 : i32 to index
      %get3A_419 = arith.constant 128 : index
      %get3A_420 = tpu.vector_load %arg11[%get3A_418, %get3A_419] {strides = array<i32>} : memref<128x200xi32, #tpu.memory_space<vmem>>, vector<1x16xi32>,
      %get3A_421 = vector.shape_cast %get3A_420 : vector<1x16xi32> to vector<16xi32>
      %get3A_422 = arith.index_cast %mul3A_227 : i32 to index
      %get3A_423 = arith.constant 144 : index
      %get3A_424 = tpu.vector_load %arg11[%get3A_422, %get3A_423] {strides = array<i32>} : memref<128x200xi32, #tpu.memory_space<vmem>>, vector<1x16xi32>,
      %get3A_425 = vector.shape_cast %get3A_424 : vector<1x16xi32> to vector<16xi32>
      %get3A_426 = arith.index_cast %mul3A_227 : i32 to index
      %get3A_427 = arith.constant 160 : index
      %get3A_428 = tpu.vector_load %arg11[%get3A_426, %get3A_427] {strides = array<i32>} : memref<128x200xi32, #tpu.memory_space<vmem>>, vector<1x16xi32>,
      %get3A_429 = vector.shape_cast %get3A_428 : vector<1x16xi32> to vector<16xi32>
      %get3A_430 = arith.index_cast %mul3A_227 : i32 to index
      %get3A_431 = arith.constant 176 : index
      %get3A_432 = tpu.vector_load %arg11[%get3A_430, %get3A_431] {strides = array<i32>} : memref<128x200xi32, #tpu.memory_space<vmem>>, vector<1x16xi32>,
      %get3A_433 = vector.shape_cast %get3A_432 : vector<1x16xi32> to vector<16xi32>
      %get3A_434 = arith.index_cast %mul3A_227 : i32 to index
      %get3A_435 = arith.constant 184 : index
      %get3A_436 = tpu.vector_load %arg11[%get3A_434, %get3A_435] {strides = array<i32>} : memref<128x200xi32, #tpu.memory_space<vmem>>, vector<1x16xi32>,
      %get3A_437 = vector.shape_cast %get3A_436 : vector<1x16xi32> to vector<16xi32>
      %dma_wait3A_438 = arith.constant 0 : i32
      %dma_wait3A_439 = arith.constant 0 : i32
      %dma_wait3A_440 = arith.constant 0 : i32
      %dma_wait3A_441 = tpu.memref_slice %arg12[%dma_wait3A_438, %dma_wait3A_439, %dma_wait3A_440] : memref<2x200x64xf32, #tpu.memory_space<vmem>> -> memref<1x16x64xf32, #tpu.memory_space<vmem>>
      %dma_wait3A_442 = tpu.memref_squeeze %dma_wait3A_441 : memref<1x16x64xf32, #tpu.memory_space<vmem>> -> memref<16x64xf32, #tpu.memory_space<vmem>>
      %dma_wait3A_443 = arith.constant 0 : i32
      %dma_wait3A_444 = arith.constant 0 : i32
      %dma_wait3A_445 = tpu.memref_slice %arg14[%dma_wait3A_443, %dma_wait3A_444] : memref<8192x64xf32, #tpu.memory_space<vmem_shared>> -> memref<8192x64xf32, #tpu.memory_space<vmem_shared>>
      tpu.wait_indirect_dma semaphore(%arg15 : memref<!tpu.dma_semaphore, #tpu.memory_space<semaphore_mem>>) src(%dma_wait3A_445 : memref<8192x64xf32, #tpu.memory_space<vmem_shared>>) dst(%dma_wait3A_442 : memref<16x64xf32, #tpu.memory_space<vmem>>)
      %dma_wait3A_446 = arith.constant 0 : i32
      %dma_wait3A_447 = arith.constant 16 : i32
      %dma_wait3A_448 = arith.constant 0 : i32
      %dma_wait3A_449 = tpu.memref_slice %arg12[%dma_wait3A_446, %dma_wait3A_447, %dma_wait3A_448] : memref<2x200x64xf32, #tpu.memory_space<vmem>> -> memref<1x16x64xf32, #tpu.memory_space<vmem>>
      %dma_wait3A_450 = tpu.memref_squeeze %dma_wait3A_449 : memref<1x16x64xf32, #tpu.memory_space<vmem>> -> memref<16x64xf32, #tpu.memory_space<vmem>>
      %dma_wait3A_451 = arith.constant 0 : i32
      %dma_wait3A_452 = arith.constant 0 : i32
      %dma_wait3A_453 = tpu.memref_slice %arg14[%dma_wait3A_451, %dma_wait3A_452] : memref<8192x64xf32, #tpu.memory_space<vmem_shared>> -> memref<8192x64xf32, #tpu.memory_space<vmem_shared>>
      tpu.wait_indirect_dma semaphore(%arg15 : memref<!tpu.dma_semaphore, #tpu.memory_space<semaphore_mem>>) src(%dma_wait3A_453 : memref<8192x64xf32, #tpu.memory_space<vmem_shared>>) dst(%dma_wait3A_450 : memref<16x64xf32, #tpu.memory_space<vmem>>)
      %dma_wait3A_454 = arith.constant 0 : i32
      %dma_wait3A_455 = arith.constant 32 : i32
      %dma_wait3A_456 = arith.constant 0 : i32
      %dma_wait3A_457 = tpu.memref_slice %arg12[%dma_wait3A_454, %dma_wait3A_455, %dma_wait3A_456] : memref<2x200x64xf32, #tpu.memory_space<vmem>> -> memref<1x16x64xf32, #tpu.memory_space<vmem>>
      %dma_wait3A_458 = tpu.memref_squeeze %dma_wait3A_457 : memref<1x16x64xf32, #tpu.memory_space<vmem>> -> memref<16x64xf32, #tpu.memory_space<vmem>>
      %dma_wait3A_459 = arith.constant 0 : i32
      %dma_wait3A_460 = arith.constant 0 : i32
      %dma_wait3A_461 = tpu.memref_slice %arg14[%dma_wait3A_459, %dma_wait3A_460] : memref<8192x64xf32, #tpu.memory_space<vmem_shared>> -> memref<8192x64xf32, #tpu.memory_space<vmem_shared>>
      tpu.wait_indirect_dma semaphore(%arg15 : memref<!tpu.dma_semaphore, #tpu.memory_space<semaphore_mem>>) src(%dma_wait3A_461 : memref<8192x64xf32, #tpu.memory_space<vmem_shared>>) dst(%dma_wait3A_458 : memref<16x64xf32, #tpu.memory_space<vmem>>)
      %dma_wait3A_462 = arith.constant 0 : i32
      %dma_wait3A_463 = arith.constant 48 : i32
      %dma_wait3A_464 = arith.constant 0 : i32
      %dma_wait3A_465 = tpu.memref_slice %arg12[%dma_wait3A_462, %dma_wait3A_463, %dma_wait3A_464] : memref<2x200x64xf32, #tpu.memory_space<vmem>> -> memref<1x16x64xf32, #tpu.memory_space<vmem>>
      %dma_wait3A_466 = tpu.memref_squeeze %dma_wait3A_465 : memref<1x16x64xf32, #tpu.memory_space<vmem>> -> memref<16x64xf32, #tpu.memory_space<vmem>>
      %dma_wait3A_467 = arith.constant 0 : i32
      %dma_wait3A_468 = arith.constant 0 : i32
      %dma_wait3A_469 = tpu.memref_slice %arg14[%dma_wait3A_467, %dma_wait3A_468] : memref<8192x64xf32, #tpu.memory_space<vmem_shared>> -> memref<8192x64xf32, #tpu.memory_space<vmem_shared>>
      tpu.wait_indirect_dma semaphore(%arg15 : memref<!tpu.dma_semaphore, #tpu.memory_space<semaphore_mem>>) src(%dma_wait3A_469 : memref<8192x64xf32, #tpu.memory_space<vmem_shared>>) dst(%dma_wait3A_466 : memref<16x64xf32, #tpu.memory_space<vmem>>)
      %dma_wait3A_470 = arith.constant 0 : i32
      %dma_wait3A_471 = arith.constant 64 : i32
      %dma_wait3A_472 = arith.constant 0 : i32
      %dma_wait3A_473 = tpu.memref_slice %arg12[%dma_wait3A_470, %dma_wait3A_471, %dma_wait3A_472] : memref<2x200x64xf32, #tpu.memory_space<vmem>> -> memref<1x16x64xf32, #tpu.memory_space<vmem>>
      %dma_wait3A_474 = tpu.memref_squeeze %dma_wait3A_473 : memref<1x16x64xf32, #tpu.memory_space<vmem>> -> memref<16x64xf32, #tpu.memory_space<vmem>>
      %dma_wait3A_475 = arith.constant 0 : i32
      %dma_wait3A_476 = arith.constant 0 : i32
      %dma_wait3A_477 = tpu.memref_slice %arg14[%dma_wait3A_475, %dma_wait3A_476] : memref<8192x64xf32, #tpu.memory_space<vmem_shared>> -> memref<8192x64xf32, #tpu.memory_space<vmem_shared>>
      tpu.wait_indirect_dma semaphore(%arg15 : memref<!tpu.dma_semaphore, #tpu.memory_space<semaphore_mem>>) src(%dma_wait3A_477 : memref<8192x64xf32, #tpu.memory_space<vmem_shared>>) dst(%dma_wait3A_474 : memref<16x64xf32, #tpu.memory_space<vmem>>)
      %dma_wait3A_478 = arith.constant 0 : i32
      %dma_wait3A_479 = arith.constant 80 : i32
      %dma_wait3A_480 = arith.constant 0 : i32
      %dma_wait3A_481 = tpu.memref_slice %arg12[%dma_wait3A_478, %dma_wait3A_479, %dma_wait3A_480] : memref<2x200x64xf32, #tpu.memory_space<vmem>> -> memref<1x16x64xf32, #tpu.memory_space<vmem>>
      %dma_wait3A_482 = tpu.memref_squeeze %dma_wait3A_481 : memref<1x16x64xf32, #tpu.memory_space<vmem>> -> memref<16x64xf32, #tpu.memory_space<vmem>>
      %dma_wait3A_483 = arith.constant 0 : i32
      %dma_wait3A_484 = arith.constant 0 : i32
      %dma_wait3A_485 = tpu.memref_slice %arg14[%dma_wait3A_483, %dma_wait3A_484] : memref<8192x64xf32, #tpu.memory_space<vmem_shared>> -> memref<8192x64xf32, #tpu.memory_space<vmem_shared>>
      tpu.wait_indirect_dma semaphore(%arg15 : memref<!tpu.dma_semaphore, #tpu.memory_space<semaphore_mem>>) src(%dma_wait3A_485 : memref<8192x64xf32, #tpu.memory_space<vmem_shared>>) dst(%dma_wait3A_482 : memref<16x64xf32, #tpu.memory_space<vmem>>)
      %dma_wait3A_486 = arith.constant 0 : i32
      %dma_wait3A_487 = arith.constant 96 : i32
      %dma_wait3A_488 = arith.constant 0 : i32
      %dma_wait3A_489 = tpu.memref_slice %arg12[%dma_wait3A_486, %dma_wait3A_487, %dma_wait3A_488] : memref<2x200x64xf32, #tpu.memory_space<vmem>> -> memref<1x16x64xf32, #tpu.memory_space<vmem>>
      %dma_wait3A_490 = tpu.memref_squeeze %dma_wait3A_489 : memref<1x16x64xf32, #tpu.memory_space<vmem>> -> memref<16x64xf32, #tpu.memory_space<vmem>>
      %dma_wait3A_491 = arith.constant 0 : i32
      %dma_wait3A_492 = arith.constant 0 : i32
      %dma_wait3A_493 = tpu.memref_slice %arg14[%dma_wait3A_491, %dma_wait3A_492] : memref<8192x64xf32, #tpu.memory_space<vmem_shared>> -> memref<8192x64xf32, #tpu.memory_space<vmem_shared>>
      tpu.wait_indirect_dma semaphore(%arg15 : memref<!tpu.dma_semaphore, #tpu.memory_space<semaphore_mem>>) src(%dma_wait3A_493 : memref<8192x64xf32, #tpu.memory_space<vmem_shared>>) dst(%dma_wait3A_490 : memref<16x64xf32, #tpu.memory_space<vmem>>)
      %dma_wait3A_494 = arith.constant 0 : i32
      %dma_wait3A_495 = arith.constant 112 : i32
      %dma_wait3A_496 = arith.constant 0 : i32
      %dma_wait3A_497 = tpu.memref_slice %arg12[%dma_wait3A_494, %dma_wait3A_495, %dma_wait3A_496] : memref<2x200x64xf32, #tpu.memory_space<vmem>> -> memref<1x16x64xf32, #tpu.memory_space<vmem>>
      %dma_wait3A_498 = tpu.memref_squeeze %dma_wait3A_497 : memref<1x16x64xf32, #tpu.memory_space<vmem>> -> memref<16x64xf32, #tpu.memory_space<vmem>>
      %dma_wait3A_499 = arith.constant 0 : i32
      %dma_wait3A_500 = arith.constant 0 : i32
      %dma_wait3A_501 = tpu.memref_slice %arg14[%dma_wait3A_499, %dma_wait3A_500] : memref<8192x64xf32, #tpu.memory_space<vmem_shared>> -> memref<8192x64xf32, #tpu.memory_space<vmem_shared>>
      tpu.wait_indirect_dma semaphore(%arg15 : memref<!tpu.dma_semaphore, #tpu.memory_space<semaphore_mem>>) src(%dma_wait3A_501 : memref<8192x64xf32, #tpu.memory_space<vmem_shared>>) dst(%dma_wait3A_498 : memref<16x64xf32, #tpu.memory_space<vmem>>)
      %dma_wait3A_502 = arith.constant 0 : i32
      %dma_wait3A_503 = arith.constant 128 : i32
      %dma_wait3A_504 = arith.constant 0 : i32
      %dma_wait3A_505 = tpu.memref_slice %arg12[%dma_wait3A_502, %dma_wait3A_503, %dma_wait3A_504] : memref<2x200x64xf32, #tpu.memory_space<vmem>> -> memref<1x16x64xf32, #tpu.memory_space<vmem>>
      %dma_wait3A_506 = tpu.memref_squeeze %dma_wait3A_505 : memref<1x16x64xf32, #tpu.memory_space<vmem>> -> memref<16x64xf32, #tpu.memory_space<vmem>>
      %dma_wait3A_507 = arith.constant 0 : i32
      %dma_wait3A_508 = arith.constant 0 : i32
      %dma_wait3A_509 = tpu.memref_slice %arg14[%dma_wait3A_507, %dma_wait3A_508] : memref<8192x64xf32, #tpu.memory_space<vmem_shared>> -> memref<8192x64xf32, #tpu.memory_space<vmem_shared>>
      tpu.wait_indirect_dma semaphore(%arg15 : memref<!tpu.dma_semaphore, #tpu.memory_space<semaphore_mem>>) src(%dma_wait3A_509 : memref<8192x64xf32, #tpu.memory_space<vmem_shared>>) dst(%dma_wait3A_506 : memref<16x64xf32, #tpu.memory_space<vmem>>)
      %dma_wait3A_510 = arith.constant 0 : i32
      %dma_wait3A_511 = arith.constant 144 : i32
      %dma_wait3A_512 = arith.constant 0 : i32
      %dma_wait3A_513 = tpu.memref_slice %arg12[%dma_wait3A_510, %dma_wait3A_511, %dma_wait3A_512] : memref<2x200x64xf32, #tpu.memory_space<vmem>> -> memref<1x16x64xf32, #tpu.memory_space<vmem>>
      %dma_wait3A_514 = tpu.memref_squeeze %dma_wait3A_513 : memref<1x16x64xf32, #tpu.memory_space<vmem>> -> memref<16x64xf32, #tpu.memory_space<vmem>>
      %dma_wait3A_515 = arith.constant 0 : i32
      %dma_wait3A_516 = arith.constant 0 : i32
      %dma_wait3A_517 = tpu.memref_slice %arg14[%dma_wait3A_515, %dma_wait3A_516] : memref<8192x64xf32, #tpu.memory_space<vmem_shared>> -> memref<8192x64xf32, #tpu.memory_space<vmem_shared>>
      tpu.wait_indirect_dma semaphore(%arg15 : memref<!tpu.dma_semaphore, #tpu.memory_space<semaphore_mem>>) src(%dma_wait3A_517 : memref<8192x64xf32, #tpu.memory_space<vmem_shared>>) dst(%dma_wait3A_514 : memref<16x64xf32, #tpu.memory_space<vmem>>)
      %dma_wait3A_518 = arith.constant 0 : i32
      %dma_wait3A_519 = arith.constant 160 : i32
      %dma_wait3A_520 = arith.constant 0 : i32
      %dma_wait3A_521 = tpu.memref_slice %arg12[%dma_wait3A_518, %dma_wait3A_519, %dma_wait3A_520] : memref<2x200x64xf32, #tpu.memory_space<vmem>> -> memref<1x16x64xf32, #tpu.memory_space<vmem>>
      %dma_wait3A_522 = tpu.memref_squeeze %dma_wait3A_521 : memref<1x16x64xf32, #tpu.memory_space<vmem>> -> memref<16x64xf32, #tpu.memory_space<vmem>>
      %dma_wait3A_523 = arith.constant 0 : i32
      %dma_wait3A_524 = arith.constant 0 : i32
      %dma_wait3A_525 = tpu.memref_slice %arg14[%dma_wait3A_523, %dma_wait3A_524] : memref<8192x64xf32, #tpu.memory_space<vmem_shared>> -> memref<8192x64xf32, #tpu.memory_space<vmem_shared>>
      tpu.wait_indirect_dma semaphore(%arg15 : memref<!tpu.dma_semaphore, #tpu.memory_space<semaphore_mem>>) src(%dma_wait3A_525 : memref<8192x64xf32, #tpu.memory_space<vmem_shared>>) dst(%dma_wait3A_522 : memref<16x64xf32, #tpu.memory_space<vmem>>)
      %dma_wait3A_526 = arith.constant 0 : i32
      %dma_wait3A_527 = arith.constant 176 : i32
      %dma_wait3A_528 = arith.constant 0 : i32
      %dma_wait3A_529 = tpu.memref_slice %arg12[%dma_wait3A_526, %dma_wait3A_527, %dma_wait3A_528] : memref<2x200x64xf32, #tpu.memory_space<vmem>> -> memref<1x16x64xf32, #tpu.memory_space<vmem>>
      %dma_wait3A_530 = tpu.memref_squeeze %dma_wait3A_529 : memref<1x16x64xf32, #tpu.memory_space<vmem>> -> memref<16x64xf32, #tpu.memory_space<vmem>>
      %dma_wait3A_531 = arith.constant 0 : i32
      %dma_wait3A_532 = arith.constant 0 : i32
      %dma_wait3A_533 = tpu.memref_slice %arg14[%dma_wait3A_531, %dma_wait3A_532] : memref<8192x64xf32, #tpu.memory_space<vmem_shared>> -> memref<8192x64xf32, #tpu.memory_space<vmem_shared>>
      tpu.wait_indirect_dma semaphore(%arg15 : memref<!tpu.dma_semaphore, #tpu.memory_space<semaphore_mem>>) src(%dma_wait3A_533 : memref<8192x64xf32, #tpu.memory_space<vmem_shared>>) dst(%dma_wait3A_530 : memref<16x64xf32, #tpu.memory_space<vmem>>)
      %dma_wait3A_534 = arith.constant 0 : i32
      %dma_wait3A_535 = arith.constant 184 : i32
      %dma_wait3A_536 = arith.constant 0 : i32
      %dma_wait3A_537 = tpu.memref_slice %arg12[%dma_wait3A_534, %dma_wait3A_535, %dma_wait3A_536] : memref<2x200x64xf32, #tpu.memory_space<vmem>> -> memref<1x16x64xf32, #tpu.memory_space<vmem>>
      %dma_wait3A_538 = tpu.memref_squeeze %dma_wait3A_537 : memref<1x16x64xf32, #tpu.memory_space<vmem>> -> memref<16x64xf32, #tpu.memory_space<vmem>>
      %dma_wait3A_539 = arith.constant 0 : i32
      %dma_wait3A_540 = arith.constant 0 : i32
      %dma_wait3A_541 = tpu.memref_slice %arg14[%dma_wait3A_539, %dma_wait3A_540] : memref<8192x64xf32, #tpu.memory_space<vmem_shared>> -> memref<8192x64xf32, #tpu.memory_space<vmem_shared>>
      tpu.wait_indirect_dma semaphore(%arg15 : memref<!tpu.dma_semaphore, #tpu.memory_space<semaphore_mem>>) src(%dma_wait3A_541 : memref<8192x64xf32, #tpu.memory_space<vmem_shared>>) dst(%dma_wait3A_538 : memref<16x64xf32, #tpu.memory_space<vmem>>)
      %ge3A = arith.constant 1 : i32
      %ge3A_542 = arith.cmpi sge, %add3A_225, %ge3A : i32
      %convert_element_type3A = arith.extui %ge3A_542 : i1 to i32
      %cond3A = arith.constant 0 : i32
      %cond3A_543 = arith.cmpi ne, %convert_element_type3A, %cond3A : i32
      scf.if %cond3A_543 {
        %sub3A = arith.constant 2 : i32
        %sub3A_793 = arith.subi %mul3A_227, %sub3A : i32
        %add3A_794 = arith.addi %mul3A_2, %sub3A_793 : i32
        %dma_wait3A_795 = arith.constant 0 : i32
        %dma_wait3A_796 = arith.constant 0 : i32
        %dma_wait3A_797 = arith.constant 0 : i32
        %dma_wait3A_798 = tpu.memref_slice %arg13[%dma_wait3A_795, %dma_wait3A_796, %dma_wait3A_797] : memref<2x200x64xf32, #tpu.memory_space<vmem>> -> memref<1x200x64xf32, #tpu.memory_space<vmem>>
        %dma_wait3A_799 = tpu.memref_squeeze %dma_wait3A_798 : memref<1x200x64xf32, #tpu.memory_space<vmem>> -> memref<200x64xf32, #tpu.memory_space<vmem>>
        %dma_wait3A_800 = arith.constant 0 : i32
        %dma_wait3A_801 = arith.constant 0 : i32
        %dma_wait3A_802 = tpu.memref_slice %arg7[%add3A_794, %dma_wait3A_800, %dma_wait3A_801] : memref<4096x200x64xf32, #tpu.memory_space<hbm>> -> memref<1x200x64xf32, #tpu.memory_space<hbm>>
        %dma_wait3A_803 = tpu.memref_squeeze %dma_wait3A_802 : memref<1x200x64xf32, #tpu.memory_space<hbm>> -> memref<200x64xf32, #tpu.memory_space<hbm>>
        %dma_wait3A_804 = arith.constant 0 : i32
        %dma_wait3A_805 = arith.constant 0 : i32
        %dma_wait3A_806 = tpu.memref_slice %arg7[%add3A_794, %dma_wait3A_804, %dma_wait3A_805] : memref<4096x200x64xf32, #tpu.memory_space<hbm>> -> memref<1x200x64xf32, #tpu.memory_space<hbm>>
        %dma_wait3A_807 = tpu.memref_squeeze %dma_wait3A_806 : memref<1x200x64xf32, #tpu.memory_space<hbm>> -> memref<200x64xf32, #tpu.memory_space<hbm>>
        %dma_wait3A_808 = arith.constant 0 : i32
        %dma_wait3A_809 = arith.constant 0 : i32
        %dma_wait3A_810 = tpu.memref_slice %arg13[%dma_wait3A_795, %dma_wait3A_808, %dma_wait3A_809] : memref<2x200x64xf32, #tpu.memory_space<vmem>> -> memref<1x200x64xf32, #tpu.memory_space<vmem>>
        %dma_wait3A_811 = tpu.memref_squeeze %dma_wait3A_810 : memref<1x200x64xf32, #tpu.memory_space<vmem>> -> memref<200x64xf32, #tpu.memory_space<vmem>>
        tpu.wait_dma2 semaphore(%arg17 : memref<!tpu.dma_semaphore, #tpu.memory_space<semaphore_mem>>) src(%dma_wait3A_811 : memref<200x64xf32, #tpu.memory_space<vmem>>) dst(%dma_wait3A_807 : memref<200x64xf32, #tpu.memory_space<hbm>>)
      } else {
      }
      %get3A_544 = arith.index_cast %mul3A_227 : i32 to index
      %get3A_545 = arith.constant 0 : index
      %get3A_546 = tpu.vector_load %arg10[%get3A_544, %get3A_545] {strides = array<i32>} : memref<128x64xf32, #tpu.memory_space<vmem>>, vector<1x16xf32>,
      %get3A_547 = vector.shape_cast %get3A_546 : vector<1x16xf32> to vector<16xf32>
      %get3A_548 = arith.index_cast %mul3A_227 : i32 to index
      %get3A_549 = arith.constant 16 : index
      %get3A_550 = tpu.vector_load %arg10[%get3A_548, %get3A_549] {strides = array<i32>} : memref<128x64xf32, #tpu.memory_space<vmem>>, vector<1x16xf32>,
      %get3A_551 = vector.shape_cast %get3A_550 : vector<1x16xf32> to vector<16xf32>
      %get3A_552 = arith.index_cast %mul3A_227 : i32 to index
      %get3A_553 = arith.constant 32 : index
      %get3A_554 = tpu.vector_load %arg10[%get3A_552, %get3A_553] {strides = array<i32>} : memref<128x64xf32, #tpu.memory_space<vmem>>, vector<1x16xf32>,
      %get3A_555 = vector.shape_cast %get3A_554 : vector<1x16xf32> to vector<16xf32>
      %get3A_556 = arith.index_cast %mul3A_227 : i32 to index
      %get3A_557 = arith.constant 48 : index
      %get3A_558 = tpu.vector_load %arg10[%get3A_556, %get3A_557] {strides = array<i32>} : memref<128x64xf32, #tpu.memory_space<vmem>>, vector<1x16xf32>,
      %get3A_559 = vector.shape_cast %get3A_558 : vector<1x16xf32> to vector<16xf32>
      %scan3A_560 = arith.constant 0 : i32
      %scan3A_561 = arith.constant 200 : i32
      %scan3A_562 = arith.addi %scan3A_560, %scan3A_561 : i32
      %scan3A_563 = arith.constant 1 : i32
      scf.for %scan3A_793 = %scan3A_560 to %scan3A_562 step %scan3A_563  : i32 {
        %mul3A_794 = arith.constant 1 : i32
        %mul3A_795 = arith.muli %scan3A_793, %mul3A_794 : i32
        %add3A_796 = arith.constant 0 : i32
        %add3A_797 = arith.addi %add3A_796, %mul3A_795 : i32
        %get3A_798 = arith.constant 0 : i32
        %get3A_799 = arith.index_cast %get3A_798 : i32 to index
        %get3A_800 = arith.index_cast %add3A_797 : i32 to index
        %get3A_801 = arith.constant 0 : index
        %get3A_802 = tpu.vector_load %arg12[%get3A_799, %get3A_800, %get3A_801] {strides = array<i32>} : memref<2x200x64xf32, #tpu.memory_space<vmem>>, vector<1x1x16xf32>,
        %get3A_803 = vector.shape_cast %get3A_802 : vector<1x1x16xf32> to vector<16xf32>
        %get3A_804 = arith.index_cast %add3A_797 : i32 to index
        %get3A_805 = arith.constant 0 : index
        %get3A_806 = tpu.vector_load %arg8[%get3A_804, %get3A_805] {strides = array<i32>} : memref<200x64xf32, #tpu.memory_space<vmem>>, vector<1x16xf32>,
        %get3A_807 = vector.shape_cast %get3A_806 : vector<1x16xf32> to vector<16xf32>
        %add3A_808 = arith.addf %get3A_803, %get3A_807 : vector<16xf32>
        %add3A_809 = arith.addf %add3A_808, %get3A_547 : vector<16xf32>
        %swap3A = arith.constant 0 : i32
        %swap3A_810 = arith.index_cast %swap3A : i32 to index
        %swap3A_811 = arith.index_cast %add3A_797 : i32 to index
        %swap3A_812 = arith.constant 0 : index
        %swap3A_813 = tpu.vector_load %arg13[%swap3A_810, %swap3A_811, %swap3A_812] {strides = array<i32>} : memref<2x200x64xf32, #tpu.memory_space<vmem>>, vector<1x1x16xf32>,
        %swap3A_814 = vector.shape_cast %swap3A_813 : vector<1x1x16xf32> to vector<16xf32>
        %swap3A_815 = vector.shape_cast %add3A_809 : vector<16xf32> to vector<1x1x16xf32>
        tpu.vector_store %arg13[%swap3A_810, %swap3A_811, %swap3A_812], %swap3A_815 {strides = array<i32>} : memref<2x200x64xf32, #tpu.memory_space<vmem>>, vector<1x1x16xf32>,
        %get3A_816 = arith.constant 0 : i32
        %get3A_817 = arith.index_cast %get3A_816 : i32 to index
        %get3A_818 = arith.index_cast %add3A_797 : i32 to index
        %get3A_819 = arith.constant 16 : index
        %get3A_820 = tpu.vector_load %arg12[%get3A_817, %get3A_818, %get3A_819] {strides = array<i32>} : memref<2x200x64xf32, #tpu.memory_space<vmem>>, vector<1x1x16xf32>,
        %get3A_821 = vector.shape_cast %get3A_820 : vector<1x1x16xf32> to vector<16xf32>
        %get3A_822 = arith.index_cast %add3A_797 : i32 to index
        %get3A_823 = arith.constant 16 : index
        %get3A_824 = tpu.vector_load %arg8[%get3A_822, %get3A_823] {strides = array<i32>} : memref<200x64xf32, #tpu.memory_space<vmem>>, vector<1x16xf32>,
        %get3A_825 = vector.shape_cast %get3A_824 : vector<1x16xf32> to vector<16xf32>
        %add3A_826 = arith.addf %get3A_821, %get3A_825 : vector<16xf32>
        %add3A_827 = arith.addf %add3A_826, %get3A_551 : vector<16xf32>
        %swap3A_828 = arith.constant 0 : i32
        %swap3A_829 = arith.index_cast %swap3A_828 : i32 to index
        %swap3A_830 = arith.index_cast %add3A_797 : i32 to index
        %swap3A_831 = arith.constant 16 : index
        %swap3A_832 = tpu.vector_load %arg13[%swap3A_829, %swap3A_830, %swap3A_831] {strides = array<i32>} : memref<2x200x64xf32, #tpu.memory_space<vmem>>, vector<1x1x16xf32>,
        %swap3A_833 = vector.shape_cast %swap3A_832 : vector<1x1x16xf32> to vector<16xf32>
        %swap3A_834 = vector.shape_cast %add3A_827 : vector<16xf32> to vector<1x1x16xf32>
        tpu.vector_store %arg13[%swap3A_829, %swap3A_830, %swap3A_831], %swap3A_834 {strides = array<i32>} : memref<2x200x64xf32, #tpu.memory_space<vmem>>, vector<1x1x16xf32>,
        %get3A_835 = arith.constant 0 : i32
        %get3A_836 = arith.index_cast %get3A_835 : i32 to index
        %get3A_837 = arith.index_cast %add3A_797 : i32 to index
        %get3A_838 = arith.constant 32 : index
        %get3A_839 = tpu.vector_load %arg12[%get3A_836, %get3A_837, %get3A_838] {strides = array<i32>} : memref<2x200x64xf32, #tpu.memory_space<vmem>>, vector<1x1x16xf32>,
        %get3A_840 = vector.shape_cast %get3A_839 : vector<1x1x16xf32> to vector<16xf32>
        %get3A_841 = arith.index_cast %add3A_797 : i32 to index
        %get3A_842 = arith.constant 32 : index
        %get3A_843 = tpu.vector_load %arg8[%get3A_841, %get3A_842] {strides = array<i32>} : memref<200x64xf32, #tpu.memory_space<vmem>>, vector<1x16xf32>,
        %get3A_844 = vector.shape_cast %get3A_843 : vector<1x16xf32> to vector<16xf32>
        %add3A_845 = arith.addf %get3A_840, %get3A_844 : vector<16xf32>
        %add3A_846 = arith.addf %add3A_845, %get3A_555 : vector<16xf32>
        %swap3A_847 = arith.constant 0 : i32
        %swap3A_848 = arith.index_cast %swap3A_847 : i32 to index
        %swap3A_849 = arith.index_cast %add3A_797 : i32 to index
        %swap3A_850 = arith.constant 32 : index
        %swap3A_851 = tpu.vector_load %arg13[%swap3A_848, %swap3A_849, %swap3A_850] {strides = array<i32>} : memref<2x200x64xf32, #tpu.memory_space<vmem>>, vector<1x1x16xf32>,
        %swap3A_852 = vector.shape_cast %swap3A_851 : vector<1x1x16xf32> to vector<16xf32>
        %swap3A_853 = vector.shape_cast %add3A_846 : vector<16xf32> to vector<1x1x16xf32>
        tpu.vector_store %arg13[%swap3A_848, %swap3A_849, %swap3A_850], %swap3A_853 {strides = array<i32>} : memref<2x200x64xf32, #tpu.memory_space<vmem>>, vector<1x1x16xf32>,
        %get3A_854 = arith.constant 0 : i32
        %get3A_855 = arith.index_cast %get3A_854 : i32 to index
        %get3A_856 = arith.index_cast %add3A_797 : i32 to index
        %get3A_857 = arith.constant 48 : index
        %get3A_858 = tpu.vector_load %arg12[%get3A_855, %get3A_856, %get3A_857] {strides = array<i32>} : memref<2x200x64xf32, #tpu.memory_space<vmem>>, vector<1x1x16xf32>,
        %get3A_859 = vector.shape_cast %get3A_858 : vector<1x1x16xf32> to vector<16xf32>
        %get3A_860 = arith.index_cast %add3A_797 : i32 to index
        %get3A_861 = arith.constant 48 : index
        %get3A_862 = tpu.vector_load %arg8[%get3A_860, %get3A_861] {strides = array<i32>} : memref<200x64xf32, #tpu.memory_space<vmem>>, vector<1x16xf32>,
        %get3A_863 = vector.shape_cast %get3A_862 : vector<1x16xf32> to vector<16xf32>
        %add3A_864 = arith.addf %get3A_859, %get3A_863 : vector<16xf32>
        %add3A_865 = arith.addf %add3A_864, %get3A_559 : vector<16xf32>
        %swap3A_866 = arith.constant 0 : i32
        %swap3A_867 = arith.index_cast %swap3A_866 : i32 to index
        %swap3A_868 = arith.index_cast %add3A_797 : i32 to index
        %swap3A_869 = arith.constant 48 : index
        %swap3A_870 = tpu.vector_load %arg13[%swap3A_867, %swap3A_868, %swap3A_869] {strides = array<i32>} : memref<2x200x64xf32, #tpu.memory_space<vmem>>, vector<1x1x16xf32>,
        %swap3A_871 = vector.shape_cast %swap3A_870 : vector<1x1x16xf32> to vector<16xf32>
        %swap3A_872 = vector.shape_cast %add3A_865 : vector<16xf32> to vector<1x1x16xf32>
        tpu.vector_store %arg13[%swap3A_867, %swap3A_868, %swap3A_869], %swap3A_872 {strides = array<i32>} : memref<2x200x64xf32, #tpu.memory_space<vmem>>, vector<1x1x16xf32>,
      }
      %scan3A_564 = arith.constant 200 : i32
      %add3A_565 = arith.addi %mul3A_2, %mul3A_227 : i32
      %dma_start3A_566 = arith.constant 0 : i32
      %dma_start3A_567 = arith.constant 0 : i32
      %dma_start3A_568 = arith.constant 0 : i32
      %dma_start3A_569 = tpu.memref_slice %arg13[%dma_start3A_566, %dma_start3A_567, %dma_start3A_568] : memref<2x200x64xf32, #tpu.memory_space<vmem>> -> memref<1x200x64xf32, #tpu.memory_space<vmem>>
      %dma_start3A_570 = tpu.memref_squeeze %dma_start3A_569 : memref<1x200x64xf32, #tpu.memory_space<vmem>> -> memref<200x64xf32, #tpu.memory_space<vmem>>
      %dma_start3A_571 = arith.constant 0 : i32
      %dma_start3A_572 = arith.constant 0 : i32
      %dma_start3A_573 = tpu.memref_slice %arg7[%add3A_565, %dma_start3A_571, %dma_start3A_572] : memref<4096x200x64xf32, #tpu.memory_space<hbm>> -> memref<1x200x64xf32, #tpu.memory_space<hbm>>
      %dma_start3A_574 = tpu.memref_squeeze %dma_start3A_573 : memref<1x200x64xf32, #tpu.memory_space<hbm>> -> memref<200x64xf32, #tpu.memory_space<hbm>>
      %dma_start3A_575 = arith.constant 0 : i32
      %dma_start3A_576 = arith.constant 0 : i32
      %dma_start3A_577 = tpu.memref_slice %arg7[%add3A_565, %dma_start3A_575, %dma_start3A_576] : memref<4096x200x64xf32, #tpu.memory_space<hbm>> -> memref<1x200x64xf32, #tpu.memory_space<hbm>>
      %dma_start3A_578 = tpu.memref_squeeze %dma_start3A_577 : memref<1x200x64xf32, #tpu.memory_space<hbm>> -> memref<200x64xf32, #tpu.memory_space<hbm>>
      %dma_start3A_579 = arith.constant 0 : i32
      %dma_start3A_580 = arith.constant 0 : i32
      %dma_start3A_581 = tpu.memref_slice %arg13[%dma_start3A_566, %dma_start3A_579, %dma_start3A_580] : memref<2x200x64xf32, #tpu.memory_space<vmem>> -> memref<1x200x64xf32, #tpu.memory_space<vmem>>
      %dma_start3A_582 = tpu.memref_squeeze %dma_start3A_581 : memref<1x200x64xf32, #tpu.memory_space<vmem>> -> memref<200x64xf32, #tpu.memory_space<vmem>>
      tpu.enqueue_dma source(%dma_start3A_582 : memref<200x64xf32, #tpu.memory_space<vmem>>) target(%dma_start3A_578 : memref<200x64xf32, #tpu.memory_space<hbm>>) target_semaphore(%arg17 : memref<!tpu.dma_semaphore, #tpu.memory_space<semaphore_mem>>)
      %lt3A = arith.constant 63 : i32
      %lt3A_583 = arith.cmpi slt, %add3A_225, %lt3A : i32
      %convert_element_type3A_584 = arith.extui %lt3A_583 : i1 to i32
      %cond3A_585 = arith.constant 0 : i32
      %cond3A_586 = arith.cmpi ne, %convert_element_type3A_584, %cond3A_585 : i32
      scf.if %cond3A_586 {
        %add3A_793 = arith.constant 2 : i32
        %add3A_794 = arith.addi %mul3A_227, %add3A_793 : i32
        %get3A_795 = arith.index_cast %add3A_794 : i32 to index
        %get3A_796 = arith.constant 0 : index
        %get3A_797 = tpu.vector_load %arg11[%get3A_795, %get3A_796] {strides = array<i32>} : memref<128x200xi32, #tpu.memory_space<vmem>>, vector<1x16xi32>,
        %get3A_798 = vector.shape_cast %get3A_797 : vector<1x16xi32> to vector<16xi32>
        %get3A_799 = arith.index_cast %add3A_794 : i32 to index
        %get3A_800 = arith.constant 16 : index
        %get3A_801 = tpu.vector_load %arg11[%get3A_799, %get3A_800] {strides = array<i32>} : memref<128x200xi32, #tpu.memory_space<vmem>>, vector<1x16xi32>,
        %get3A_802 = vector.shape_cast %get3A_801 : vector<1x16xi32> to vector<16xi32>
        %get3A_803 = arith.index_cast %add3A_794 : i32 to index
        %get3A_804 = arith.constant 32 : index
        %get3A_805 = tpu.vector_load %arg11[%get3A_803, %get3A_804] {strides = array<i32>} : memref<128x200xi32, #tpu.memory_space<vmem>>, vector<1x16xi32>,
        %get3A_806 = vector.shape_cast %get3A_805 : vector<1x16xi32> to vector<16xi32>
        %get3A_807 = arith.index_cast %add3A_794 : i32 to index
        %get3A_808 = arith.constant 48 : index
        %get3A_809 = tpu.vector_load %arg11[%get3A_807, %get3A_808] {strides = array<i32>} : memref<128x200xi32, #tpu.memory_space<vmem>>, vector<1x16xi32>,
        %get3A_810 = vector.shape_cast %get3A_809 : vector<1x16xi32> to vector<16xi32>
        %get3A_811 = arith.index_cast %add3A_794 : i32 to index
        %get3A_812 = arith.constant 64 : index
        %get3A_813 = tpu.vector_load %arg11[%get3A_811, %get3A_812] {strides = array<i32>} : memref<128x200xi32, #tpu.memory_space<vmem>>, vector<1x16xi32>,
        %get3A_814 = vector.shape_cast %get3A_813 : vector<1x16xi32> to vector<16xi32>
        %get3A_815 = arith.index_cast %add3A_794 : i32 to index
        %get3A_816 = arith.constant 80 : index
        %get3A_817 = tpu.vector_load %arg11[%get3A_815, %get3A_816] {strides = array<i32>} : memref<128x200xi32, #tpu.memory_space<vmem>>, vector<1x16xi32>,
        %get3A_818 = vector.shape_cast %get3A_817 : vector<1x16xi32> to vector<16xi32>
        %get3A_819 = arith.index_cast %add3A_794 : i32 to index
        %get3A_820 = arith.constant 96 : index
        %get3A_821 = tpu.vector_load %arg11[%get3A_819, %get3A_820] {strides = array<i32>} : memref<128x200xi32, #tpu.memory_space<vmem>>, vector<1x16xi32>,
        %get3A_822 = vector.shape_cast %get3A_821 : vector<1x16xi32> to vector<16xi32>
        %get3A_823 = arith.index_cast %add3A_794 : i32 to index
        %get3A_824 = arith.constant 112 : index
        %get3A_825 = tpu.vector_load %arg11[%get3A_823, %get3A_824] {strides = array<i32>} : memref<128x200xi32, #tpu.memory_space<vmem>>, vector<1x16xi32>,
        %get3A_826 = vector.shape_cast %get3A_825 : vector<1x16xi32> to vector<16xi32>
        %get3A_827 = arith.index_cast %add3A_794 : i32 to index
        %get3A_828 = arith.constant 128 : index
        %get3A_829 = tpu.vector_load %arg11[%get3A_827, %get3A_828] {strides = array<i32>} : memref<128x200xi32, #tpu.memory_space<vmem>>, vector<1x16xi32>,
        %get3A_830 = vector.shape_cast %get3A_829 : vector<1x16xi32> to vector<16xi32>
        %get3A_831 = arith.index_cast %add3A_794 : i32 to index
        %get3A_832 = arith.constant 144 : index
        %get3A_833 = tpu.vector_load %arg11[%get3A_831, %get3A_832] {strides = array<i32>} : memref<128x200xi32, #tpu.memory_space<vmem>>, vector<1x16xi32>,
        %get3A_834 = vector.shape_cast %get3A_833 : vector<1x16xi32> to vector<16xi32>
        %get3A_835 = arith.index_cast %add3A_794 : i32 to index
        %get3A_836 = arith.constant 160 : index
        %get3A_837 = tpu.vector_load %arg11[%get3A_835, %get3A_836] {strides = array<i32>} : memref<128x200xi32, #tpu.memory_space<vmem>>, vector<1x16xi32>,
        %get3A_838 = vector.shape_cast %get3A_837 : vector<1x16xi32> to vector<16xi32>
        %get3A_839 = arith.index_cast %add3A_794 : i32 to index
        %get3A_840 = arith.constant 176 : index
        %get3A_841 = tpu.vector_load %arg11[%get3A_839, %get3A_840] {strides = array<i32>} : memref<128x200xi32, #tpu.memory_space<vmem>>, vector<1x16xi32>,
        %get3A_842 = vector.shape_cast %get3A_841 : vector<1x16xi32> to vector<16xi32>
        %get3A_843 = arith.index_cast %add3A_794 : i32 to index
        %get3A_844 = arith.constant 184 : index
        %get3A_845 = tpu.vector_load %arg11[%get3A_843, %get3A_844] {strides = array<i32>} : memref<128x200xi32, #tpu.memory_space<vmem>>, vector<1x16xi32>,
        %get3A_846 = vector.shape_cast %get3A_845 : vector<1x16xi32> to vector<16xi32>
        %dma_start3A_847 = arith.constant 0 : i32
        %dma_start3A_848 = arith.constant 0 : i32
        %dma_start3A_849 = arith.constant 0 : i32
        %dma_start3A_850 = tpu.memref_slice %arg12[%dma_start3A_847, %dma_start3A_848, %dma_start3A_849] : memref<2x200x64xf32, #tpu.memory_space<vmem>> -> memref<1x16x64xf32, #tpu.memory_space<vmem>>
        %dma_start3A_851 = tpu.memref_squeeze %dma_start3A_850 : memref<1x16x64xf32, #tpu.memory_space<vmem>> -> memref<16x64xf32, #tpu.memory_space<vmem>>
        %dma_start3A_852 = arith.constant 0 : i32
        %dma_start3A_853 = arith.constant 0 : i32
        %dma_start3A_854 = tpu.memref_slice %arg14[%dma_start3A_852, %dma_start3A_853] : memref<8192x64xf32, #tpu.memory_space<vmem_shared>> -> memref<8192x64xf32, #tpu.memory_space<vmem_shared>>
        tpu.enqueue_indirect_dma source(%dma_start3A_854 : memref<8192x64xf32, #tpu.memory_space<vmem_shared>>) target(%dma_start3A_851 : memref<16x64xf32, #tpu.memory_space<vmem>>) offsets(%get3A_798 : vector<16xi32>) semaphore(%arg15 : memref<!tpu.dma_semaphore, #tpu.memory_space<semaphore_mem>>)
        %dma_start3A_855 = arith.constant 0 : i32
        %dma_start3A_856 = arith.constant 16 : i32
        %dma_start3A_857 = arith.constant 0 : i32
        %dma_start3A_858 = tpu.memref_slice %arg12[%dma_start3A_855, %dma_start3A_856, %dma_start3A_857] : memref<2x200x64xf32, #tpu.memory_space<vmem>> -> memref<1x16x64xf32, #tpu.memory_space<vmem>>
        %dma_start3A_859 = tpu.memref_squeeze %dma_start3A_858 : memref<1x16x64xf32, #tpu.memory_space<vmem>> -> memref<16x64xf32, #tpu.memory_space<vmem>>
        %dma_start3A_860 = arith.constant 0 : i32
        %dma_start3A_861 = arith.constant 0 : i32
        %dma_start3A_862 = tpu.memref_slice %arg14[%dma_start3A_860, %dma_start3A_861] : memref<8192x64xf32, #tpu.memory_space<vmem_shared>> -> memref<8192x64xf32, #tpu.memory_space<vmem_shared>>
        tpu.enqueue_indirect_dma source(%dma_start3A_862 : memref<8192x64xf32, #tpu.memory_space<vmem_shared>>) target(%dma_start3A_859 : memref<16x64xf32, #tpu.memory_space<vmem>>) offsets(%get3A_802 : vector<16xi32>) semaphore(%arg15 : memref<!tpu.dma_semaphore, #tpu.memory_space<semaphore_mem>>)
        %dma_start3A_863 = arith.constant 0 : i32
        %dma_start3A_864 = arith.constant 32 : i32
        %dma_start3A_865 = arith.constant 0 : i32
        %dma_start3A_866 = tpu.memref_slice %arg12[%dma_start3A_863, %dma_start3A_864, %dma_start3A_865] : memref<2x200x64xf32, #tpu.memory_space<vmem>> -> memref<1x16x64xf32, #tpu.memory_space<vmem>>
        %dma_start3A_867 = tpu.memref_squeeze %dma_start3A_866 : memref<1x16x64xf32, #tpu.memory_space<vmem>> -> memref<16x64xf32, #tpu.memory_space<vmem>>
        %dma_start3A_868 = arith.constant 0 : i32
        %dma_start3A_869 = arith.constant 0 : i32
        %dma_start3A_870 = tpu.memref_slice %arg14[%dma_start3A_868, %dma_start3A_869] : memref<8192x64xf32, #tpu.memory_space<vmem_shared>> -> memref<8192x64xf32, #tpu.memory_space<vmem_shared>>
        tpu.enqueue_indirect_dma source(%dma_start3A_870 : memref<8192x64xf32, #tpu.memory_space<vmem_shared>>) target(%dma_start3A_867 : memref<16x64xf32, #tpu.memory_space<vmem>>) offsets(%get3A_806 : vector<16xi32>) semaphore(%arg15 : memref<!tpu.dma_semaphore, #tpu.memory_space<semaphore_mem>>)
        %dma_start3A_871 = arith.constant 0 : i32
        %dma_start3A_872 = arith.constant 48 : i32
        %dma_start3A_873 = arith.constant 0 : i32
        %dma_start3A_874 = tpu.memref_slice %arg12[%dma_start3A_871, %dma_start3A_872, %dma_start3A_873] : memref<2x200x64xf32, #tpu.memory_space<vmem>> -> memref<1x16x64xf32, #tpu.memory_space<vmem>>
        %dma_start3A_875 = tpu.memref_squeeze %dma_start3A_874 : memref<1x16x64xf32, #tpu.memory_space<vmem>> -> memref<16x64xf32, #tpu.memory_space<vmem>>
        %dma_start3A_876 = arith.constant 0 : i32
        %dma_start3A_877 = arith.constant 0 : i32
        %dma_start3A_878 = tpu.memref_slice %arg14[%dma_start3A_876, %dma_start3A_877] : memref<8192x64xf32, #tpu.memory_space<vmem_shared>> -> memref<8192x64xf32, #tpu.memory_space<vmem_shared>>
        tpu.enqueue_indirect_dma source(%dma_start3A_878 : memref<8192x64xf32, #tpu.memory_space<vmem_shared>>) target(%dma_start3A_875 : memref<16x64xf32, #tpu.memory_space<vmem>>) offsets(%get3A_810 : vector<16xi32>) semaphore(%arg15 : memref<!tpu.dma_semaphore, #tpu.memory_space<semaphore_mem>>)
        %dma_start3A_879 = arith.constant 0 : i32
        %dma_start3A_880 = arith.constant 64 : i32
        %dma_start3A_881 = arith.constant 0 : i32
        %dma_start3A_882 = tpu.memref_slice %arg12[%dma_start3A_879, %dma_start3A_880, %dma_start3A_881] : memref<2x200x64xf32, #tpu.memory_space<vmem>> -> memref<1x16x64xf32, #tpu.memory_space<vmem>>
        %dma_start3A_883 = tpu.memref_squeeze %dma_start3A_882 : memref<1x16x64xf32, #tpu.memory_space<vmem>> -> memref<16x64xf32, #tpu.memory_space<vmem>>
        %dma_start3A_884 = arith.constant 0 : i32
        %dma_start3A_885 = arith.constant 0 : i32
        %dma_start3A_886 = tpu.memref_slice %arg14[%dma_start3A_884, %dma_start3A_885] : memref<8192x64xf32, #tpu.memory_space<vmem_shared>> -> memref<8192x64xf32, #tpu.memory_space<vmem_shared>>
        tpu.enqueue_indirect_dma source(%dma_start3A_886 : memref<8192x64xf32, #tpu.memory_space<vmem_shared>>) target(%dma_start3A_883 : memref<16x64xf32, #tpu.memory_space<vmem>>) offsets(%get3A_814 : vector<16xi32>) semaphore(%arg15 : memref<!tpu.dma_semaphore, #tpu.memory_space<semaphore_mem>>)
        %dma_start3A_887 = arith.constant 0 : i32
        %dma_start3A_888 = arith.constant 80 : i32
        %dma_start3A_889 = arith.constant 0 : i32
        %dma_start3A_890 = tpu.memref_slice %arg12[%dma_start3A_887, %dma_start3A_888, %dma_start3A_889] : memref<2x200x64xf32, #tpu.memory_space<vmem>> -> memref<1x16x64xf32, #tpu.memory_space<vmem>>
        %dma_start3A_891 = tpu.memref_squeeze %dma_start3A_890 : memref<1x16x64xf32, #tpu.memory_space<vmem>> -> memref<16x64xf32, #tpu.memory_space<vmem>>
        %dma_start3A_892 = arith.constant 0 : i32
        %dma_start3A_893 = arith.constant 0 : i32
        %dma_start3A_894 = tpu.memref_slice %arg14[%dma_start3A_892, %dma_start3A_893] : memref<8192x64xf32, #tpu.memory_space<vmem_shared>> -> memref<8192x64xf32, #tpu.memory_space<vmem_shared>>
        tpu.enqueue_indirect_dma source(%dma_start3A_894 : memref<8192x64xf32, #tpu.memory_space<vmem_shared>>) target(%dma_start3A_891 : memref<16x64xf32, #tpu.memory_space<vmem>>) offsets(%get3A_818 : vector<16xi32>) semaphore(%arg15 : memref<!tpu.dma_semaphore, #tpu.memory_space<semaphore_mem>>)
        %dma_start3A_895 = arith.constant 0 : i32
        %dma_start3A_896 = arith.constant 96 : i32
        %dma_start3A_897 = arith.constant 0 : i32
        %dma_start3A_898 = tpu.memref_slice %arg12[%dma_start3A_895, %dma_start3A_896, %dma_start3A_897] : memref<2x200x64xf32, #tpu.memory_space<vmem>> -> memref<1x16x64xf32, #tpu.memory_space<vmem>>
        %dma_start3A_899 = tpu.memref_squeeze %dma_start3A_898 : memref<1x16x64xf32, #tpu.memory_space<vmem>> -> memref<16x64xf32, #tpu.memory_space<vmem>>
        %dma_start3A_900 = arith.constant 0 : i32
        %dma_start3A_901 = arith.constant 0 : i32
        %dma_start3A_902 = tpu.memref_slice %arg14[%dma_start3A_900, %dma_start3A_901] : memref<8192x64xf32, #tpu.memory_space<vmem_shared>> -> memref<8192x64xf32, #tpu.memory_space<vmem_shared>>
        tpu.enqueue_indirect_dma source(%dma_start3A_902 : memref<8192x64xf32, #tpu.memory_space<vmem_shared>>) target(%dma_start3A_899 : memref<16x64xf32, #tpu.memory_space<vmem>>) offsets(%get3A_822 : vector<16xi32>) semaphore(%arg15 : memref<!tpu.dma_semaphore, #tpu.memory_space<semaphore_mem>>)
        %dma_start3A_903 = arith.constant 0 : i32
        %dma_start3A_904 = arith.constant 112 : i32
        %dma_start3A_905 = arith.constant 0 : i32
        %dma_start3A_906 = tpu.memref_slice %arg12[%dma_start3A_903, %dma_start3A_904, %dma_start3A_905] : memref<2x200x64xf32, #tpu.memory_space<vmem>> -> memref<1x16x64xf32, #tpu.memory_space<vmem>>
        %dma_start3A_907 = tpu.memref_squeeze %dma_start3A_906 : memref<1x16x64xf32, #tpu.memory_space<vmem>> -> memref<16x64xf32, #tpu.memory_space<vmem>>
        %dma_start3A_908 = arith.constant 0 : i32
        %dma_start3A_909 = arith.constant 0 : i32
        %dma_start3A_910 = tpu.memref_slice %arg14[%dma_start3A_908, %dma_start3A_909] : memref<8192x64xf32, #tpu.memory_space<vmem_shared>> -> memref<8192x64xf32, #tpu.memory_space<vmem_shared>>
        tpu.enqueue_indirect_dma source(%dma_start3A_910 : memref<8192x64xf32, #tpu.memory_space<vmem_shared>>) target(%dma_start3A_907 : memref<16x64xf32, #tpu.memory_space<vmem>>) offsets(%get3A_826 : vector<16xi32>) semaphore(%arg15 : memref<!tpu.dma_semaphore, #tpu.memory_space<semaphore_mem>>)
        %dma_start3A_911 = arith.constant 0 : i32
        %dma_start3A_912 = arith.constant 128 : i32
        %dma_start3A_913 = arith.constant 0 : i32
        %dma_start3A_914 = tpu.memref_slice %arg12[%dma_start3A_911, %dma_start3A_912, %dma_start3A_913] : memref<2x200x64xf32, #tpu.memory_space<vmem>> -> memref<1x16x64xf32, #tpu.memory_space<vmem>>
        %dma_start3A_915 = tpu.memref_squeeze %dma_start3A_914 : memref<1x16x64xf32, #tpu.memory_space<vmem>> -> memref<16x64xf32, #tpu.memory_space<vmem>>
        %dma_start3A_916 = arith.constant 0 : i32
        %dma_start3A_917 = arith.constant 0 : i32
        %dma_start3A_918 = tpu.memref_slice %arg14[%dma_start3A_916, %dma_start3A_917] : memref<8192x64xf32, #tpu.memory_space<vmem_shared>> -> memref<8192x64xf32, #tpu.memory_space<vmem_shared>>
        tpu.enqueue_indirect_dma source(%dma_start3A_918 : memref<8192x64xf32, #tpu.memory_space<vmem_shared>>) target(%dma_start3A_915 : memref<16x64xf32, #tpu.memory_space<vmem>>) offsets(%get3A_830 : vector<16xi32>) semaphore(%arg15 : memref<!tpu.dma_semaphore, #tpu.memory_space<semaphore_mem>>)
        %dma_start3A_919 = arith.constant 0 : i32
        %dma_start3A_920 = arith.constant 144 : i32
        %dma_start3A_921 = arith.constant 0 : i32
        %dma_start3A_922 = tpu.memref_slice %arg12[%dma_start3A_919, %dma_start3A_920, %dma_start3A_921] : memref<2x200x64xf32, #tpu.memory_space<vmem>> -> memref<1x16x64xf32, #tpu.memory_space<vmem>>
        %dma_start3A_923 = tpu.memref_squeeze %dma_start3A_922 : memref<1x16x64xf32, #tpu.memory_space<vmem>> -> memref<16x64xf32, #tpu.memory_space<vmem>>
        %dma_start3A_924 = arith.constant 0 : i32
        %dma_start3A_925 = arith.constant 0 : i32
        %dma_start3A_926 = tpu.memref_slice %arg14[%dma_start3A_924, %dma_start3A_925] : memref<8192x64xf32, #tpu.memory_space<vmem_shared>> -> memref<8192x64xf32, #tpu.memory_space<vmem_shared>>
        tpu.enqueue_indirect_dma source(%dma_start3A_926 : memref<8192x64xf32, #tpu.memory_space<vmem_shared>>) target(%dma_start3A_923 : memref<16x64xf32, #tpu.memory_space<vmem>>) offsets(%get3A_834 : vector<16xi32>) semaphore(%arg15 : memref<!tpu.dma_semaphore, #tpu.memory_space<semaphore_mem>>)
        %dma_start3A_927 = arith.constant 0 : i32
        %dma_start3A_928 = arith.constant 160 : i32
        %dma_start3A_929 = arith.constant 0 : i32
        %dma_start3A_930 = tpu.memref_slice %arg12[%dma_start3A_927, %dma_start3A_928, %dma_start3A_929] : memref<2x200x64xf32, #tpu.memory_space<vmem>> -> memref<1x16x64xf32, #tpu.memory_space<vmem>>
        %dma_start3A_931 = tpu.memref_squeeze %dma_start3A_930 : memref<1x16x64xf32, #tpu.memory_space<vmem>> -> memref<16x64xf32, #tpu.memory_space<vmem>>
        %dma_start3A_932 = arith.constant 0 : i32
        %dma_start3A_933 = arith.constant 0 : i32
        %dma_start3A_934 = tpu.memref_slice %arg14[%dma_start3A_932, %dma_start3A_933] : memref<8192x64xf32, #tpu.memory_space<vmem_shared>> -> memref<8192x64xf32, #tpu.memory_space<vmem_shared>>
        tpu.enqueue_indirect_dma source(%dma_start3A_934 : memref<8192x64xf32, #tpu.memory_space<vmem_shared>>) target(%dma_start3A_931 : memref<16x64xf32, #tpu.memory_space<vmem>>) offsets(%get3A_838 : vector<16xi32>) semaphore(%arg15 : memref<!tpu.dma_semaphore, #tpu.memory_space<semaphore_mem>>)
        %dma_start3A_935 = arith.constant 0 : i32
        %dma_start3A_936 = arith.constant 176 : i32
        %dma_start3A_937 = arith.constant 0 : i32
        %dma_start3A_938 = tpu.memref_slice %arg12[%dma_start3A_935, %dma_start3A_936, %dma_start3A_937] : memref<2x200x64xf32, #tpu.memory_space<vmem>> -> memref<1x16x64xf32, #tpu.memory_space<vmem>>
        %dma_start3A_939 = tpu.memref_squeeze %dma_start3A_938 : memref<1x16x64xf32, #tpu.memory_space<vmem>> -> memref<16x64xf32, #tpu.memory_space<vmem>>
        %dma_start3A_940 = arith.constant 0 : i32
        %dma_start3A_941 = arith.constant 0 : i32
        %dma_start3A_942 = tpu.memref_slice %arg14[%dma_start3A_940, %dma_start3A_941] : memref<8192x64xf32, #tpu.memory_space<vmem_shared>> -> memref<8192x64xf32, #tpu.memory_space<vmem_shared>>
        tpu.enqueue_indirect_dma source(%dma_start3A_942 : memref<8192x64xf32, #tpu.memory_space<vmem_shared>>) target(%dma_start3A_939 : memref<16x64xf32, #tpu.memory_space<vmem>>) offsets(%get3A_842 : vector<16xi32>) semaphore(%arg15 : memref<!tpu.dma_semaphore, #tpu.memory_space<semaphore_mem>>)
        %dma_start3A_943 = arith.constant 0 : i32
        %dma_start3A_944 = arith.constant 184 : i32
        %dma_start3A_945 = arith.constant 0 : i32
        %dma_start3A_946 = tpu.memref_slice %arg12[%dma_start3A_943, %dma_start3A_944, %dma_start3A_945] : memref<2x200x64xf32, #tpu.memory_space<vmem>> -> memref<1x16x64xf32, #tpu.memory_space<vmem>>
        %dma_start3A_947 = tpu.memref_squeeze %dma_start3A_946 : memref<1x16x64xf32, #tpu.memory_space<vmem>> -> memref<16x64xf32, #tpu.memory_space<vmem>>
        %dma_start3A_948 = arith.constant 0 : i32
        %dma_start3A_949 = arith.constant 0 : i32
        %dma_start3A_950 = tpu.memref_slice %arg14[%dma_start3A_948, %dma_start3A_949] : memref<8192x64xf32, #tpu.memory_space<vmem_shared>> -> memref<8192x64xf32, #tpu.memory_space<vmem_shared>>
        tpu.enqueue_indirect_dma source(%dma_start3A_950 : memref<8192x64xf32, #tpu.memory_space<vmem_shared>>) target(%dma_start3A_947 : memref<16x64xf32, #tpu.memory_space<vmem>>) offsets(%get3A_846 : vector<16xi32>) semaphore(%arg15 : memref<!tpu.dma_semaphore, #tpu.memory_space<semaphore_mem>>)
      } else {
      }
      %add3A_587 = arith.constant 1 : i32
      %add3A_588 = arith.addi %mul3A_227, %add3A_587 : i32
      %get3A_589 = arith.index_cast %add3A_588 : i32 to index
      %get3A_590 = arith.constant 0 : index
      %get3A_591 = tpu.vector_load %arg11[%get3A_589, %get3A_590] {strides = array<i32>} : memref<128x200xi32, #tpu.memory_space<vmem>>, vector<1x16xi32>,
      %get3A_592 = vector.shape_cast %get3A_591 : vector<1x16xi32> to vector<16xi32>
      %get3A_593 = arith.index_cast %add3A_588 : i32 to index
      %get3A_594 = arith.constant 16 : index
      %get3A_595 = tpu.vector_load %arg11[%get3A_593, %get3A_594] {strides = array<i32>} : memref<128x200xi32, #tpu.memory_space<vmem>>, vector<1x16xi32>,
      %get3A_596 = vector.shape_cast %get3A_595 : vector<1x16xi32> to vector<16xi32>
      %get3A_597 = arith.index_cast %add3A_588 : i32 to index
      %get3A_598 = arith.constant 32 : index
      %get3A_599 = tpu.vector_load %arg11[%get3A_597, %get3A_598] {strides = array<i32>} : memref<128x200xi32, #tpu.memory_space<vmem>>, vector<1x16xi32>,
      %get3A_600 = vector.shape_cast %get3A_599 : vector<1x16xi32> to vector<16xi32>
      %get3A_601 = arith.index_cast %add3A_588 : i32 to index
      %get3A_602 = arith.constant 48 : index
      %get3A_603 = tpu.vector_load %arg11[%get3A_601, %get3A_602] {strides = array<i32>} : memref<128x200xi32, #tpu.memory_space<vmem>>, vector<1x16xi32>,
      %get3A_604 = vector.shape_cast %get3A_603 : vector<1x16xi32> to vector<16xi32>
      %get3A_605 = arith.index_cast %add3A_588 : i32 to index
      %get3A_606 = arith.constant 64 : index
      %get3A_607 = tpu.vector_load %arg11[%get3A_605, %get3A_606] {strides = array<i32>} : memref<128x200xi32, #tpu.memory_space<vmem>>, vector<1x16xi32>,
      %get3A_608 = vector.shape_cast %get3A_607 : vector<1x16xi32> to vector<16xi32>
      %get3A_609 = arith.index_cast %add3A_588 : i32 to index
      %get3A_610 = arith.constant 80 : index
      %get3A_611 = tpu.vector_load %arg11[%get3A_609, %get3A_610] {strides = array<i32>} : memref<128x200xi32, #tpu.memory_space<vmem>>, vector<1x16xi32>,
      %get3A_612 = vector.shape_cast %get3A_611 : vector<1x16xi32> to vector<16xi32>
      %get3A_613 = arith.index_cast %add3A_588 : i32 to index
      %get3A_614 = arith.constant 96 : index
      %get3A_615 = tpu.vector_load %arg11[%get3A_613, %get3A_614] {strides = array<i32>} : memref<128x200xi32, #tpu.memory_space<vmem>>, vector<1x16xi32>,
      %get3A_616 = vector.shape_cast %get3A_615 : vector<1x16xi32> to vector<16xi32>
      %get3A_617 = arith.index_cast %add3A_588 : i32 to index
      %get3A_618 = arith.constant 112 : index
      %get3A_619 = tpu.vector_load %arg11[%get3A_617, %get3A_618] {strides = array<i32>} : memref<128x200xi32, #tpu.memory_space<vmem>>, vector<1x16xi32>,
      %get3A_620 = vector.shape_cast %get3A_619 : vector<1x16xi32> to vector<16xi32>
      %get3A_621 = arith.index_cast %add3A_588 : i32 to index
      %get3A_622 = arith.constant 128 : index
      %get3A_623 = tpu.vector_load %arg11[%get3A_621, %get3A_622] {strides = array<i32>} : memref<128x200xi32, #tpu.memory_space<vmem>>, vector<1x16xi32>,
      %get3A_624 = vector.shape_cast %get3A_623 : vector<1x16xi32> to vector<16xi32>
      %get3A_625 = arith.index_cast %add3A_588 : i32 to index
      %get3A_626 = arith.constant 144 : index
      %get3A_627 = tpu.vector_load %arg11[%get3A_625, %get3A_626] {strides = array<i32>} : memref<128x200xi32, #tpu.memory_space<vmem>>, vector<1x16xi32>,
      %get3A_628 = vector.shape_cast %get3A_627 : vector<1x16xi32> to vector<16xi32>
      %get3A_629 = arith.index_cast %add3A_588 : i32 to index
      %get3A_630 = arith.constant 160 : index
      %get3A_631 = tpu.vector_load %arg11[%get3A_629, %get3A_630] {strides = array<i32>} : memref<128x200xi32, #tpu.memory_space<vmem>>, vector<1x16xi32>,
      %get3A_632 = vector.shape_cast %get3A_631 : vector<1x16xi32> to vector<16xi32>
      %get3A_633 = arith.index_cast %add3A_588 : i32 to index
      %get3A_634 = arith.constant 176 : index
      %get3A_635 = tpu.vector_load %arg11[%get3A_633, %get3A_634] {strides = array<i32>} : memref<128x200xi32, #tpu.memory_space<vmem>>, vector<1x16xi32>,
      %get3A_636 = vector.shape_cast %get3A_635 : vector<1x16xi32> to vector<16xi32>
      %get3A_637 = arith.index_cast %add3A_588 : i32 to index
      %get3A_638 = arith.constant 184 : index
      %get3A_639 = tpu.vector_load %arg11[%get3A_637, %get3A_638] {strides = array<i32>} : memref<128x200xi32, #tpu.memory_space<vmem>>, vector<1x16xi32>,
      %get3A_640 = vector.shape_cast %get3A_639 : vector<1x16xi32> to vector<16xi32>
      %dma_wait3A_641 = arith.constant 1 : i32
      %dma_wait3A_642 = arith.constant 0 : i32
      %dma_wait3A_643 = arith.constant 0 : i32
      %dma_wait3A_644 = tpu.memref_slice %arg12[%dma_wait3A_641, %dma_wait3A_642, %dma_wait3A_643] : memref<2x200x64xf32, #tpu.memory_space<vmem>> -> memref<1x16x64xf32, #tpu.memory_space<vmem>>
      %dma_wait3A_645 = tpu.memref_squeeze %dma_wait3A_644 : memref<1x16x64xf32, #tpu.memory_space<vmem>> -> memref<16x64xf32, #tpu.memory_space<vmem>>
      %dma_wait3A_646 = arith.constant 0 : i32
      %dma_wait3A_647 = arith.constant 0 : i32
      %dma_wait3A_648 = tpu.memref_slice %arg14[%dma_wait3A_646, %dma_wait3A_647] : memref<8192x64xf32, #tpu.memory_space<vmem_shared>> -> memref<8192x64xf32, #tpu.memory_space<vmem_shared>>
      tpu.wait_indirect_dma semaphore(%arg16 : memref<!tpu.dma_semaphore, #tpu.memory_space<semaphore_mem>>) src(%dma_wait3A_648 : memref<8192x64xf32, #tpu.memory_space<vmem_shared>>) dst(%dma_wait3A_645 : memref<16x64xf32, #tpu.memory_space<vmem>>)
      %dma_wait3A_649 = arith.constant 1 : i32
      %dma_wait3A_650 = arith.constant 16 : i32
      %dma_wait3A_651 = arith.constant 0 : i32
      %dma_wait3A_652 = tpu.memref_slice %arg12[%dma_wait3A_649, %dma_wait3A_650, %dma_wait3A_651] : memref<2x200x64xf32, #tpu.memory_space<vmem>> -> memref<1x16x64xf32, #tpu.memory_space<vmem>>
      %dma_wait3A_653 = tpu.memref_squeeze %dma_wait3A_652 : memref<1x16x64xf32, #tpu.memory_space<vmem>> -> memref<16x64xf32, #tpu.memory_space<vmem>>
      %dma_wait3A_654 = arith.constant 0 : i32
      %dma_wait3A_655 = arith.constant 0 : i32
      %dma_wait3A_656 = tpu.memref_slice %arg14[%dma_wait3A_654, %dma_wait3A_655] : memref<8192x64xf32, #tpu.memory_space<vmem_shared>> -> memref<8192x64xf32, #tpu.memory_space<vmem_shared>>
      tpu.wait_indirect_dma semaphore(%arg16 : memref<!tpu.dma_semaphore, #tpu.memory_space<semaphore_mem>>) src(%dma_wait3A_656 : memref<8192x64xf32, #tpu.memory_space<vmem_shared>>) dst(%dma_wait3A_653 : memref<16x64xf32, #tpu.memory_space<vmem>>)
      %dma_wait3A_657 = arith.constant 1 : i32
      %dma_wait3A_658 = arith.constant 32 : i32
      %dma_wait3A_659 = arith.constant 0 : i32
      %dma_wait3A_660 = tpu.memref_slice %arg12[%dma_wait3A_657, %dma_wait3A_658, %dma_wait3A_659] : memref<2x200x64xf32, #tpu.memory_space<vmem>> -> memref<1x16x64xf32, #tpu.memory_space<vmem>>
      %dma_wait3A_661 = tpu.memref_squeeze %dma_wait3A_660 : memref<1x16x64xf32, #tpu.memory_space<vmem>> -> memref<16x64xf32, #tpu.memory_space<vmem>>
      %dma_wait3A_662 = arith.constant 0 : i32
      %dma_wait3A_663 = arith.constant 0 : i32
      %dma_wait3A_664 = tpu.memref_slice %arg14[%dma_wait3A_662, %dma_wait3A_663] : memref<8192x64xf32, #tpu.memory_space<vmem_shared>> -> memref<8192x64xf32, #tpu.memory_space<vmem_shared>>
      tpu.wait_indirect_dma semaphore(%arg16 : memref<!tpu.dma_semaphore, #tpu.memory_space<semaphore_mem>>) src(%dma_wait3A_664 : memref<8192x64xf32, #tpu.memory_space<vmem_shared>>) dst(%dma_wait3A_661 : memref<16x64xf32, #tpu.memory_space<vmem>>)
      %dma_wait3A_665 = arith.constant 1 : i32
      %dma_wait3A_666 = arith.constant 48 : i32
      %dma_wait3A_667 = arith.constant 0 : i32
      %dma_wait3A_668 = tpu.memref_slice %arg12[%dma_wait3A_665, %dma_wait3A_666, %dma_wait3A_667] : memref<2x200x64xf32, #tpu.memory_space<vmem>> -> memref<1x16x64xf32, #tpu.memory_space<vmem>>
      %dma_wait3A_669 = tpu.memref_squeeze %dma_wait3A_668 : memref<1x16x64xf32, #tpu.memory_space<vmem>> -> memref<16x64xf32, #tpu.memory_space<vmem>>
      %dma_wait3A_670 = arith.constant 0 : i32
      %dma_wait3A_671 = arith.constant 0 : i32
      %dma_wait3A_672 = tpu.memref_slice %arg14[%dma_wait3A_670, %dma_wait3A_671] : memref<8192x64xf32, #tpu.memory_space<vmem_shared>> -> memref<8192x64xf32, #tpu.memory_space<vmem_shared>>
      tpu.wait_indirect_dma semaphore(%arg16 : memref<!tpu.dma_semaphore, #tpu.memory_space<semaphore_mem>>) src(%dma_wait3A_672 : memref<8192x64xf32, #tpu.memory_space<vmem_shared>>) dst(%dma_wait3A_669 : memref<16x64xf32, #tpu.memory_space<vmem>>)
      %dma_wait3A_673 = arith.constant 1 : i32
      %dma_wait3A_674 = arith.constant 64 : i32
      %dma_wait3A_675 = arith.constant 0 : i32
      %dma_wait3A_676 = tpu.memref_slice %arg12[%dma_wait3A_673, %dma_wait3A_674, %dma_wait3A_675] : memref<2x200x64xf32, #tpu.memory_space<vmem>> -> memref<1x16x64xf32, #tpu.memory_space<vmem>>
      %dma_wait3A_677 = tpu.memref_squeeze %dma_wait3A_676 : memref<1x16x64xf32, #tpu.memory_space<vmem>> -> memref<16x64xf32, #tpu.memory_space<vmem>>
      %dma_wait3A_678 = arith.constant 0 : i32
      %dma_wait3A_679 = arith.constant 0 : i32
      %dma_wait3A_680 = tpu.memref_slice %arg14[%dma_wait3A_678, %dma_wait3A_679] : memref<8192x64xf32, #tpu.memory_space<vmem_shared>> -> memref<8192x64xf32, #tpu.memory_space<vmem_shared>>
      tpu.wait_indirect_dma semaphore(%arg16 : memref<!tpu.dma_semaphore, #tpu.memory_space<semaphore_mem>>) src(%dma_wait3A_680 : memref<8192x64xf32, #tpu.memory_space<vmem_shared>>) dst(%dma_wait3A_677 : memref<16x64xf32, #tpu.memory_space<vmem>>)
      %dma_wait3A_681 = arith.constant 1 : i32
      %dma_wait3A_682 = arith.constant 80 : i32
      %dma_wait3A_683 = arith.constant 0 : i32
      %dma_wait3A_684 = tpu.memref_slice %arg12[%dma_wait3A_681, %dma_wait3A_682, %dma_wait3A_683] : memref<2x200x64xf32, #tpu.memory_space<vmem>> -> memref<1x16x64xf32, #tpu.memory_space<vmem>>
      %dma_wait3A_685 = tpu.memref_squeeze %dma_wait3A_684 : memref<1x16x64xf32, #tpu.memory_space<vmem>> -> memref<16x64xf32, #tpu.memory_space<vmem>>
      %dma_wait3A_686 = arith.constant 0 : i32
      %dma_wait3A_687 = arith.constant 0 : i32
      %dma_wait3A_688 = tpu.memref_slice %arg14[%dma_wait3A_686, %dma_wait3A_687] : memref<8192x64xf32, #tpu.memory_space<vmem_shared>> -> memref<8192x64xf32, #tpu.memory_space<vmem_shared>>
      tpu.wait_indirect_dma semaphore(%arg16 : memref<!tpu.dma_semaphore, #tpu.memory_space<semaphore_mem>>) src(%dma_wait3A_688 : memref<8192x64xf32, #tpu.memory_space<vmem_shared>>) dst(%dma_wait3A_685 : memref<16x64xf32, #tpu.memory_space<vmem>>)
      %dma_wait3A_689 = arith.constant 1 : i32
      %dma_wait3A_690 = arith.constant 96 : i32
      %dma_wait3A_691 = arith.constant 0 : i32
      %dma_wait3A_692 = tpu.memref_slice %arg12[%dma_wait3A_689, %dma_wait3A_690, %dma_wait3A_691] : memref<2x200x64xf32, #tpu.memory_space<vmem>> -> memref<1x16x64xf32, #tpu.memory_space<vmem>>
      %dma_wait3A_693 = tpu.memref_squeeze %dma_wait3A_692 : memref<1x16x64xf32, #tpu.memory_space<vmem>> -> memref<16x64xf32, #tpu.memory_space<vmem>>
      %dma_wait3A_694 = arith.constant 0 : i32
      %dma_wait3A_695 = arith.constant 0 : i32
      %dma_wait3A_696 = tpu.memref_slice %arg14[%dma_wait3A_694, %dma_wait3A_695] : memref<8192x64xf32, #tpu.memory_space<vmem_shared>> -> memref<8192x64xf32, #tpu.memory_space<vmem_shared>>
      tpu.wait_indirect_dma semaphore(%arg16 : memref<!tpu.dma_semaphore, #tpu.memory_space<semaphore_mem>>) src(%dma_wait3A_696 : memref<8192x64xf32, #tpu.memory_space<vmem_shared>>) dst(%dma_wait3A_693 : memref<16x64xf32, #tpu.memory_space<vmem>>)
      %dma_wait3A_697 = arith.constant 1 : i32
      %dma_wait3A_698 = arith.constant 112 : i32
      %dma_wait3A_699 = arith.constant 0 : i32
      %dma_wait3A_700 = tpu.memref_slice %arg12[%dma_wait3A_697, %dma_wait3A_698, %dma_wait3A_699] : memref<2x200x64xf32, #tpu.memory_space<vmem>> -> memref<1x16x64xf32, #tpu.memory_space<vmem>>
      %dma_wait3A_701 = tpu.memref_squeeze %dma_wait3A_700 : memref<1x16x64xf32, #tpu.memory_space<vmem>> -> memref<16x64xf32, #tpu.memory_space<vmem>>
      %dma_wait3A_702 = arith.constant 0 : i32
      %dma_wait3A_703 = arith.constant 0 : i32
      %dma_wait3A_704 = tpu.memref_slice %arg14[%dma_wait3A_702, %dma_wait3A_703] : memref<8192x64xf32, #tpu.memory_space<vmem_shared>> -> memref<8192x64xf32, #tpu.memory_space<vmem_shared>>
      tpu.wait_indirect_dma semaphore(%arg16 : memref<!tpu.dma_semaphore, #tpu.memory_space<semaphore_mem>>) src(%dma_wait3A_704 : memref<8192x64xf32, #tpu.memory_space<vmem_shared>>) dst(%dma_wait3A_701 : memref<16x64xf32, #tpu.memory_space<vmem>>)
      %dma_wait3A_705 = arith.constant 1 : i32
      %dma_wait3A_706 = arith.constant 128 : i32
      %dma_wait3A_707 = arith.constant 0 : i32
      %dma_wait3A_708 = tpu.memref_slice %arg12[%dma_wait3A_705, %dma_wait3A_706, %dma_wait3A_707] : memref<2x200x64xf32, #tpu.memory_space<vmem>> -> memref<1x16x64xf32, #tpu.memory_space<vmem>>
      %dma_wait3A_709 = tpu.memref_squeeze %dma_wait3A_708 : memref<1x16x64xf32, #tpu.memory_space<vmem>> -> memref<16x64xf32, #tpu.memory_space<vmem>>
      %dma_wait3A_710 = arith.constant 0 : i32
      %dma_wait3A_711 = arith.constant 0 : i32
      %dma_wait3A_712 = tpu.memref_slice %arg14[%dma_wait3A_710, %dma_wait3A_711] : memref<8192x64xf32, #tpu.memory_space<vmem_shared>> -> memref<8192x64xf32, #tpu.memory_space<vmem_shared>>
      tpu.wait_indirect_dma semaphore(%arg16 : memref<!tpu.dma_semaphore, #tpu.memory_space<semaphore_mem>>) src(%dma_wait3A_712 : memref<8192x64xf32, #tpu.memory_space<vmem_shared>>) dst(%dma_wait3A_709 : memref<16x64xf32, #tpu.memory_space<vmem>>)
      %dma_wait3A_713 = arith.constant 1 : i32
      %dma_wait3A_714 = arith.constant 144 : i32
      %dma_wait3A_715 = arith.constant 0 : i32
      %dma_wait3A_716 = tpu.memref_slice %arg12[%dma_wait3A_713, %dma_wait3A_714, %dma_wait3A_715] : memref<2x200x64xf32, #tpu.memory_space<vmem>> -> memref<1x16x64xf32, #tpu.memory_space<vmem>>
      %dma_wait3A_717 = tpu.memref_squeeze %dma_wait3A_716 : memref<1x16x64xf32, #tpu.memory_space<vmem>> -> memref<16x64xf32, #tpu.memory_space<vmem>>
      %dma_wait3A_718 = arith.constant 0 : i32
      %dma_wait3A_719 = arith.constant 0 : i32
      %dma_wait3A_720 = tpu.memref_slice %arg14[%dma_wait3A_718, %dma_wait3A_719] : memref<8192x64xf32, #tpu.memory_space<vmem_shared>> -> memref<8192x64xf32, #tpu.memory_space<vmem_shared>>
      tpu.wait_indirect_dma semaphore(%arg16 : memref<!tpu.dma_semaphore, #tpu.memory_space<semaphore_mem>>) src(%dma_wait3A_720 : memref<8192x64xf32, #tpu.memory_space<vmem_shared>>) dst(%dma_wait3A_717 : memref<16x64xf32, #tpu.memory_space<vmem>>)
      %dma_wait3A_721 = arith.constant 1 : i32
      %dma_wait3A_722 = arith.constant 160 : i32
      %dma_wait3A_723 = arith.constant 0 : i32
      %dma_wait3A_724 = tpu.memref_slice %arg12[%dma_wait3A_721, %dma_wait3A_722, %dma_wait3A_723] : memref<2x200x64xf32, #tpu.memory_space<vmem>> -> memref<1x16x64xf32, #tpu.memory_space<vmem>>
      %dma_wait3A_725 = tpu.memref_squeeze %dma_wait3A_724 : memref<1x16x64xf32, #tpu.memory_space<vmem>> -> memref<16x64xf32, #tpu.memory_space<vmem>>
      %dma_wait3A_726 = arith.constant 0 : i32
      %dma_wait3A_727 = arith.constant 0 : i32
      %dma_wait3A_728 = tpu.memref_slice %arg14[%dma_wait3A_726, %dma_wait3A_727] : memref<8192x64xf32, #tpu.memory_space<vmem_shared>> -> memref<8192x64xf32, #tpu.memory_space<vmem_shared>>
      tpu.wait_indirect_dma semaphore(%arg16 : memref<!tpu.dma_semaphore, #tpu.memory_space<semaphore_mem>>) src(%dma_wait3A_728 : memref<8192x64xf32, #tpu.memory_space<vmem_shared>>) dst(%dma_wait3A_725 : memref<16x64xf32, #tpu.memory_space<vmem>>)
      %dma_wait3A_729 = arith.constant 1 : i32
      %dma_wait3A_730 = arith.constant 176 : i32
      %dma_wait3A_731 = arith.constant 0 : i32
      %dma_wait3A_732 = tpu.memref_slice %arg12[%dma_wait3A_729, %dma_wait3A_730, %dma_wait3A_731] : memref<2x200x64xf32, #tpu.memory_space<vmem>> -> memref<1x16x64xf32, #tpu.memory_space<vmem>>
      %dma_wait3A_733 = tpu.memref_squeeze %dma_wait3A_732 : memref<1x16x64xf32, #tpu.memory_space<vmem>> -> memref<16x64xf32, #tpu.memory_space<vmem>>
      %dma_wait3A_734 = arith.constant 0 : i32
      %dma_wait3A_735 = arith.constant 0 : i32
      %dma_wait3A_736 = tpu.memref_slice %arg14[%dma_wait3A_734, %dma_wait3A_735] : memref<8192x64xf32, #tpu.memory_space<vmem_shared>> -> memref<8192x64xf32, #tpu.memory_space<vmem_shared>>
      tpu.wait_indirect_dma semaphore(%arg16 : memref<!tpu.dma_semaphore, #tpu.memory_space<semaphore_mem>>) src(%dma_wait3A_736 : memref<8192x64xf32, #tpu.memory_space<vmem_shared>>) dst(%dma_wait3A_733 : memref<16x64xf32, #tpu.memory_space<vmem>>)
      %dma_wait3A_737 = arith.constant 1 : i32
      %dma_wait3A_738 = arith.constant 184 : i32
      %dma_wait3A_739 = arith.constant 0 : i32
      %dma_wait3A_740 = tpu.memref_slice %arg12[%dma_wait3A_737, %dma_wait3A_738, %dma_wait3A_739] : memref<2x200x64xf32, #tpu.memory_space<vmem>> -> memref<1x16x64xf32, #tpu.memory_space<vmem>>
      %dma_wait3A_741 = tpu.memref_squeeze %dma_wait3A_740 : memref<1x16x64xf32, #tpu.memory_space<vmem>> -> memref<16x64xf32, #tpu.memory_space<vmem>>
      %dma_wait3A_742 = arith.constant 0 : i32
      %dma_wait3A_743 = arith.constant 0 : i32
      %dma_wait3A_744 = tpu.memref_slice %arg14[%dma_wait3A_742, %dma_wait3A_743] : memref<8192x64xf32, #tpu.memory_space<vmem_shared>> -> memref<8192x64xf32, #tpu.memory_space<vmem_shared>>
      tpu.wait_indirect_dma semaphore(%arg16 : memref<!tpu.dma_semaphore, #tpu.memory_space<semaphore_mem>>) src(%dma_wait3A_744 : memref<8192x64xf32, #tpu.memory_space<vmem_shared>>) dst(%dma_wait3A_741 : memref<16x64xf32, #tpu.memory_space<vmem>>)
      %ge3A_745 = arith.constant 1 : i32
      %ge3A_746 = arith.cmpi sge, %add3A_225, %ge3A_745 : i32
      %convert_element_type3A_747 = arith.extui %ge3A_746 : i1 to i32
      %cond3A_748 = arith.constant 0 : i32
      %cond3A_749 = arith.cmpi ne, %convert_element_type3A_747, %cond3A_748 : i32
      scf.if %cond3A_749 {
        %sub3A = arith.constant 1 : i32
        %sub3A_793 = arith.subi %mul3A_227, %sub3A : i32
        %add3A_794 = arith.addi %mul3A_2, %sub3A_793 : i32
        %dma_wait3A_795 = arith.constant 1 : i32
        %dma_wait3A_796 = arith.constant 0 : i32
        %dma_wait3A_797 = arith.constant 0 : i32
        %dma_wait3A_798 = tpu.memref_slice %arg13[%dma_wait3A_795, %dma_wait3A_796, %dma_wait3A_797] : memref<2x200x64xf32, #tpu.memory_space<vmem>> -> memref<1x200x64xf32, #tpu.memory_space<vmem>>
        %dma_wait3A_799 = tpu.memref_squeeze %dma_wait3A_798 : memref<1x200x64xf32, #tpu.memory_space<vmem>> -> memref<200x64xf32, #tpu.memory_space<vmem>>
        %dma_wait3A_800 = arith.constant 0 : i32
        %dma_wait3A_801 = arith.constant 0 : i32
        %dma_wait3A_802 = tpu.memref_slice %arg7[%add3A_794, %dma_wait3A_800, %dma_wait3A_801] : memref<4096x200x64xf32, #tpu.memory_space<hbm>> -> memref<1x200x64xf32, #tpu.memory_space<hbm>>
        %dma_wait3A_803 = tpu.memref_squeeze %dma_wait3A_802 : memref<1x200x64xf32, #tpu.memory_space<hbm>> -> memref<200x64xf32, #tpu.memory_space<hbm>>
        %dma_wait3A_804 = arith.constant 0 : i32
        %dma_wait3A_805 = arith.constant 0 : i32
        %dma_wait3A_806 = tpu.memref_slice %arg7[%add3A_794, %dma_wait3A_804, %dma_wait3A_805] : memref<4096x200x64xf32, #tpu.memory_space<hbm>> -> memref<1x200x64xf32, #tpu.memory_space<hbm>>
        %dma_wait3A_807 = tpu.memref_squeeze %dma_wait3A_806 : memref<1x200x64xf32, #tpu.memory_space<hbm>> -> memref<200x64xf32, #tpu.memory_space<hbm>>
        %dma_wait3A_808 = arith.constant 0 : i32
        %dma_wait3A_809 = arith.constant 0 : i32
        %dma_wait3A_810 = tpu.memref_slice %arg13[%dma_wait3A_795, %dma_wait3A_808, %dma_wait3A_809] : memref<2x200x64xf32, #tpu.memory_space<vmem>> -> memref<1x200x64xf32, #tpu.memory_space<vmem>>
        %dma_wait3A_811 = tpu.memref_squeeze %dma_wait3A_810 : memref<1x200x64xf32, #tpu.memory_space<vmem>> -> memref<200x64xf32, #tpu.memory_space<vmem>>
        tpu.wait_dma2 semaphore(%arg18 : memref<!tpu.dma_semaphore, #tpu.memory_space<semaphore_mem>>) src(%dma_wait3A_811 : memref<200x64xf32, #tpu.memory_space<vmem>>) dst(%dma_wait3A_807 : memref<200x64xf32, #tpu.memory_space<hbm>>)
      } else {
      }
      %add3A_750 = arith.constant 1 : i32
      %add3A_751 = arith.addi %mul3A_227, %add3A_750 : i32
      %get3A_752 = arith.index_cast %add3A_751 : i32 to index
      %get3A_753 = arith.constant 0 : index
      %get3A_754 = tpu.vector_load %arg10[%get3A_752, %get3A_753] {strides = array<i32>} : memref<128x64xf32, #tpu.memory_space<vmem>>, vector<1x16xf32>,
      %get3A_755 = vector.shape_cast %get3A_754 : vector<1x16xf32> to vector<16xf32>
      %get3A_756 = arith.index_cast %add3A_751 : i32 to index
      %get3A_757 = arith.constant 16 : index
      %get3A_758 = tpu.vector_load %arg10[%get3A_756, %get3A_757] {strides = array<i32>} : memref<128x64xf32, #tpu.memory_space<vmem>>, vector<1x16xf32>,
      %get3A_759 = vector.shape_cast %get3A_758 : vector<1x16xf32> to vector<16xf32>
      %get3A_760 = arith.index_cast %add3A_751 : i32 to index
      %get3A_761 = arith.constant 32 : index
      %get3A_762 = tpu.vector_load %arg10[%get3A_760, %get3A_761] {strides = array<i32>} : memref<128x64xf32, #tpu.memory_space<vmem>>, vector<1x16xf32>,
      %get3A_763 = vector.shape_cast %get3A_762 : vector<1x16xf32> to vector<16xf32>
      %get3A_764 = arith.index_cast %add3A_751 : i32 to index
      %get3A_765 = arith.constant 48 : index
      %get3A_766 = tpu.vector_load %arg10[%get3A_764, %get3A_765] {strides = array<i32>} : memref<128x64xf32, #tpu.memory_space<vmem>>, vector<1x16xf32>,
      %get3A_767 = vector.shape_cast %get3A_766 : vector<1x16xf32> to vector<16xf32>
      %scan3A_768 = arith.constant 0 : i32
      %scan3A_769 = arith.constant 200 : i32
      %scan3A_770 = arith.addi %scan3A_768, %scan3A_769 : i32
      %scan3A_771 = arith.constant 1 : i32
      scf.for %scan3A_793 = %scan3A_768 to %scan3A_770 step %scan3A_771  : i32 {
        %mul3A_794 = arith.constant 1 : i32
        %mul3A_795 = arith.muli %scan3A_793, %mul3A_794 : i32
        %add3A_796 = arith.constant 0 : i32
        %add3A_797 = arith.addi %add3A_796, %mul3A_795 : i32
        %get3A_798 = arith.constant 1 : i32
        %get3A_799 = arith.index_cast %get3A_798 : i32 to index
        %get3A_800 = arith.index_cast %add3A_797 : i32 to index
        %get3A_801 = arith.constant 0 : index
        %get3A_802 = tpu.vector_load %arg12[%get3A_799, %get3A_800, %get3A_801] {strides = array<i32>} : memref<2x200x64xf32, #tpu.memory_space<vmem>>, vector<1x1x16xf32>,
        %get3A_803 = vector.shape_cast %get3A_802 : vector<1x1x16xf32> to vector<16xf32>
        %get3A_804 = arith.index_cast %add3A_797 : i32 to index
        %get3A_805 = arith.constant 0 : index
        %get3A_806 = tpu.vector_load %arg8[%get3A_804, %get3A_805] {strides = array<i32>} : memref<200x64xf32, #tpu.memory_space<vmem>>, vector<1x16xf32>,
        %get3A_807 = vector.shape_cast %get3A_806 : vector<1x16xf32> to vector<16xf32>
        %add3A_808 = arith.addf %get3A_803, %get3A_807 : vector<16xf32>
        %add3A_809 = arith.addf %add3A_808, %get3A_755 : vector<16xf32>
        %swap3A = arith.constant 1 : i32
        %swap3A_810 = arith.index_cast %swap3A : i32 to index
        %swap3A_811 = arith.index_cast %add3A_797 : i32 to index
        %swap3A_812 = arith.constant 0 : index
        %swap3A_813 = tpu.vector_load %arg13[%swap3A_810, %swap3A_811, %swap3A_812] {strides = array<i32>} : memref<2x200x64xf32, #tpu.memory_space<vmem>>, vector<1x1x16xf32>,
        %swap3A_814 = vector.shape_cast %swap3A_813 : vector<1x1x16xf32> to vector<16xf32>
        %swap3A_815 = vector.shape_cast %add3A_809 : vector<16xf32> to vector<1x1x16xf32>
        tpu.vector_store %arg13[%swap3A_810, %swap3A_811, %swap3A_812], %swap3A_815 {strides = array<i32>} : memref<2x200x64xf32, #tpu.memory_space<vmem>>, vector<1x1x16xf32>,
        %get3A_816 = arith.constant 1 : i32
        %get3A_817 = arith.index_cast %get3A_816 : i32 to index
        %get3A_818 = arith.index_cast %add3A_797 : i32 to index
        %get3A_819 = arith.constant 16 : index
        %get3A_820 = tpu.vector_load %arg12[%get3A_817, %get3A_818, %get3A_819] {strides = array<i32>} : memref<2x200x64xf32, #tpu.memory_space<vmem>>, vector<1x1x16xf32>,
        %get3A_821 = vector.shape_cast %get3A_820 : vector<1x1x16xf32> to vector<16xf32>
        %get3A_822 = arith.index_cast %add3A_797 : i32 to index
        %get3A_823 = arith.constant 16 : index
        %get3A_824 = tpu.vector_load %arg8[%get3A_822, %get3A_823] {strides = array<i32>} : memref<200x64xf32, #tpu.memory_space<vmem>>, vector<1x16xf32>,
        %get3A_825 = vector.shape_cast %get3A_824 : vector<1x16xf32> to vector<16xf32>
        %add3A_826 = arith.addf %get3A_821, %get3A_825 : vector<16xf32>
        %add3A_827 = arith.addf %add3A_826, %get3A_759 : vector<16xf32>
        %swap3A_828 = arith.constant 1 : i32
        %swap3A_829 = arith.index_cast %swap3A_828 : i32 to index
        %swap3A_830 = arith.index_cast %add3A_797 : i32 to index
        %swap3A_831 = arith.constant 16 : index
        %swap3A_832 = tpu.vector_load %arg13[%swap3A_829, %swap3A_830, %swap3A_831] {strides = array<i32>} : memref<2x200x64xf32, #tpu.memory_space<vmem>>, vector<1x1x16xf32>,
        %swap3A_833 = vector.shape_cast %swap3A_832 : vector<1x1x16xf32> to vector<16xf32>
        %swap3A_834 = vector.shape_cast %add3A_827 : vector<16xf32> to vector<1x1x16xf32>
        tpu.vector_store %arg13[%swap3A_829, %swap3A_830, %swap3A_831], %swap3A_834 {strides = array<i32>} : memref<2x200x64xf32, #tpu.memory_space<vmem>>, vector<1x1x16xf32>,
        %get3A_835 = arith.constant 1 : i32
        %get3A_836 = arith.index_cast %get3A_835 : i32 to index
        %get3A_837 = arith.index_cast %add3A_797 : i32 to index
        %get3A_838 = arith.constant 32 : index
        %get3A_839 = tpu.vector_load %arg12[%get3A_836, %get3A_837, %get3A_838] {strides = array<i32>} : memref<2x200x64xf32, #tpu.memory_space<vmem>>, vector<1x1x16xf32>,
        %get3A_840 = vector.shape_cast %get3A_839 : vector<1x1x16xf32> to vector<16xf32>
        %get3A_841 = arith.index_cast %add3A_797 : i32 to index
        %get3A_842 = arith.constant 32 : index
        %get3A_843 = tpu.vector_load %arg8[%get3A_841, %get3A_842] {strides = array<i32>} : memref<200x64xf32, #tpu.memory_space<vmem>>, vector<1x16xf32>,
        %get3A_844 = vector.shape_cast %get3A_843 : vector<1x16xf32> to vector<16xf32>
        %add3A_845 = arith.addf %get3A_840, %get3A_844 : vector<16xf32>
        %add3A_846 = arith.addf %add3A_845, %get3A_763 : vector<16xf32>
        %swap3A_847 = arith.constant 1 : i32
        %swap3A_848 = arith.index_cast %swap3A_847 : i32 to index
        %swap3A_849 = arith.index_cast %add3A_797 : i32 to index
        %swap3A_850 = arith.constant 32 : index
        %swap3A_851 = tpu.vector_load %arg13[%swap3A_848, %swap3A_849, %swap3A_850] {strides = array<i32>} : memref<2x200x64xf32, #tpu.memory_space<vmem>>, vector<1x1x16xf32>,
        %swap3A_852 = vector.shape_cast %swap3A_851 : vector<1x1x16xf32> to vector<16xf32>
        %swap3A_853 = vector.shape_cast %add3A_846 : vector<16xf32> to vector<1x1x16xf32>
        tpu.vector_store %arg13[%swap3A_848, %swap3A_849, %swap3A_850], %swap3A_853 {strides = array<i32>} : memref<2x200x64xf32, #tpu.memory_space<vmem>>, vector<1x1x16xf32>,
        %get3A_854 = arith.constant 1 : i32
        %get3A_855 = arith.index_cast %get3A_854 : i32 to index
        %get3A_856 = arith.index_cast %add3A_797 : i32 to index
        %get3A_857 = arith.constant 48 : index
        %get3A_858 = tpu.vector_load %arg12[%get3A_855, %get3A_856, %get3A_857] {strides = array<i32>} : memref<2x200x64xf32, #tpu.memory_space<vmem>>, vector<1x1x16xf32>,
        %get3A_859 = vector.shape_cast %get3A_858 : vector<1x1x16xf32> to vector<16xf32>
        %get3A_860 = arith.index_cast %add3A_797 : i32 to index
        %get3A_861 = arith.constant 48 : index
        %get3A_862 = tpu.vector_load %arg8[%get3A_860, %get3A_861] {strides = array<i32>} : memref<200x64xf32, #tpu.memory_space<vmem>>, vector<1x16xf32>,
        %get3A_863 = vector.shape_cast %get3A_862 : vector<1x16xf32> to vector<16xf32>
        %add3A_864 = arith.addf %get3A_859, %get3A_863 : vector<16xf32>
        %add3A_865 = arith.addf %add3A_864, %get3A_767 : vector<16xf32>
        %swap3A_866 = arith.constant 1 : i32
        %swap3A_867 = arith.index_cast %swap3A_866 : i32 to index
        %swap3A_868 = arith.index_cast %add3A_797 : i32 to index
        %swap3A_869 = arith.constant 48 : index
        %swap3A_870 = tpu.vector_load %arg13[%swap3A_867, %swap3A_868, %swap3A_869] {strides = array<i32>} : memref<2x200x64xf32, #tpu.memory_space<vmem>>, vector<1x1x16xf32>,
        %swap3A_871 = vector.shape_cast %swap3A_870 : vector<1x1x16xf32> to vector<16xf32>
        %swap3A_872 = vector.shape_cast %add3A_865 : vector<16xf32> to vector<1x1x16xf32>
        tpu.vector_store %arg13[%swap3A_867, %swap3A_868, %swap3A_869], %swap3A_872 {strides = array<i32>} : memref<2x200x64xf32, #tpu.memory_space<vmem>>, vector<1x1x16xf32>,
      }
      %scan3A_772 = arith.constant 200 : i32
      %add3A_773 = arith.constant 1 : i32
      %add3A_774 = arith.addi %mul3A_227, %add3A_773 : i32
      %add3A_775 = arith.addi %mul3A_2, %add3A_774 : i32
      %dma_start3A_776 = arith.constant 1 : i32
      %dma_start3A_777 = arith.constant 0 : i32
      %dma_start3A_778 = arith.constant 0 : i32
      %dma_start3A_779 = tpu.memref_slice %arg13[%dma_start3A_776, %dma_start3A_777, %dma_start3A_778] : memref<2x200x64xf32, #tpu.memory_space<vmem>> -> memref<1x200x64xf32, #tpu.memory_space<vmem>>
      %dma_start3A_780 = tpu.memref_squeeze %dma_start3A_779 : memref<1x200x64xf32, #tpu.memory_space<vmem>> -> memref<200x64xf32, #tpu.memory_space<vmem>>
      %dma_start3A_781 = arith.constant 0 : i32
      %dma_start3A_782 = arith.constant 0 : i32
      %dma_start3A_783 = tpu.memref_slice %arg7[%add3A_775, %dma_start3A_781, %dma_start3A_782] : memref<4096x200x64xf32, #tpu.memory_space<hbm>> -> memref<1x200x64xf32, #tpu.memory_space<hbm>>
      %dma_start3A_784 = tpu.memref_squeeze %dma_start3A_783 : memref<1x200x64xf32, #tpu.memory_space<hbm>> -> memref<200x64xf32, #tpu.memory_space<hbm>>
      %dma_start3A_785 = arith.constant 0 : i32
      %dma_start3A_786 = arith.constant 0 : i32
      %dma_start3A_787 = tpu.memref_slice %arg7[%add3A_775, %dma_start3A_785, %dma_start3A_786] : memref<4096x200x64xf32, #tpu.memory_space<hbm>> -> memref<1x200x64xf32, #tpu.memory_space<hbm>>
      %dma_start3A_788 = tpu.memref_squeeze %dma_start3A_787 : memref<1x200x64xf32, #tpu.memory_space<hbm>> -> memref<200x64xf32, #tpu.memory_space<hbm>>
      %dma_start3A_789 = arith.constant 0 : i32
      %dma_start3A_790 = arith.constant 0 : i32
      %dma_start3A_791 = tpu.memref_slice %arg13[%dma_start3A_776, %dma_start3A_789, %dma_start3A_790] : memref<2x200x64xf32, #tpu.memory_space<vmem>> -> memref<1x200x64xf32, #tpu.memory_space<vmem>>
      %dma_start3A_792 = tpu.memref_squeeze %dma_start3A_791 : memref<1x200x64xf32, #tpu.memory_space<vmem>> -> memref<200x64xf32, #tpu.memory_space<vmem>>
      tpu.enqueue_dma source(%dma_start3A_792 : memref<200x64xf32, #tpu.memory_space<vmem>>) target(%dma_start3A_788 : memref<200x64xf32, #tpu.memory_space<hbm>>) target_semaphore(%arg18 : memref<!tpu.dma_semaphore, #tpu.memory_space<semaphore_mem>>)
    }
    %scan3A_182 = arith.constant 64 : i32
    %add3A_183 = arith.constant 126 : i32
    %add3A_184 = arith.addi %mul3A_2, %add3A_183 : i32
    %dma_wait3A_185 = arith.constant 0 : i32
    %dma_wait3A_186 = arith.constant 0 : i32
    %dma_wait3A_187 = arith.constant 0 : i32
    %dma_wait3A_188 = tpu.memref_slice %arg13[%dma_wait3A_185, %dma_wait3A_186, %dma_wait3A_187] : memref<2x200x64xf32, #tpu.memory_space<vmem>> -> memref<1x200x64xf32, #tpu.memory_space<vmem>>
    %dma_wait3A_189 = tpu.memref_squeeze %dma_wait3A_188 : memref<1x200x64xf32, #tpu.memory_space<vmem>> -> memref<200x64xf32, #tpu.memory_space<vmem>>
    %dma_wait3A_190 = arith.constant 0 : i32
    %dma_wait3A_191 = arith.constant 0 : i32
    %dma_wait3A_192 = tpu.memref_slice %arg7[%add3A_184, %dma_wait3A_190, %dma_wait3A_191] : memref<4096x200x64xf32, #tpu.memory_space<hbm>> -> memref<1x200x64xf32, #tpu.memory_space<hbm>>
    %dma_wait3A_193 = tpu.memref_squeeze %dma_wait3A_192 : memref<1x200x64xf32, #tpu.memory_space<hbm>> -> memref<200x64xf32, #tpu.memory_space<hbm>>
    %dma_wait3A_194 = arith.constant 0 : i32
    %dma_wait3A_195 = arith.constant 0 : i32
    %dma_wait3A_196 = tpu.memref_slice %arg7[%add3A_184, %dma_wait3A_194, %dma_wait3A_195] : memref<4096x200x64xf32, #tpu.memory_space<hbm>> -> memref<1x200x64xf32, #tpu.memory_space<hbm>>
    %dma_wait3A_197 = tpu.memref_squeeze %dma_wait3A_196 : memref<1x200x64xf32, #tpu.memory_space<hbm>> -> memref<200x64xf32, #tpu.memory_space<hbm>>
    %dma_wait3A_198 = arith.constant 0 : i32
    %dma_wait3A_199 = arith.constant 0 : i32
    %dma_wait3A_200 = tpu.memref_slice %arg13[%dma_wait3A_185, %dma_wait3A_198, %dma_wait3A_199] : memref<2x200x64xf32, #tpu.memory_space<vmem>> -> memref<1x200x64xf32, #tpu.memory_space<vmem>>
    %dma_wait3A_201 = tpu.memref_squeeze %dma_wait3A_200 : memref<1x200x64xf32, #tpu.memory_space<vmem>> -> memref<200x64xf32, #tpu.memory_space<vmem>>
    tpu.wait_dma2 semaphore(%arg17 : memref<!tpu.dma_semaphore, #tpu.memory_space<semaphore_mem>>) src(%dma_wait3A_201 : memref<200x64xf32, #tpu.memory_space<vmem>>) dst(%dma_wait3A_197 : memref<200x64xf32, #tpu.memory_space<hbm>>)
    %add3A_202 = arith.constant 127 : i32
    %add3A_203 = arith.addi %mul3A_2, %add3A_202 : i32
    %dma_wait3A_204 = arith.constant 1 : i32
    %dma_wait3A_205 = arith.constant 0 : i32
    %dma_wait3A_206 = arith.constant 0 : i32
    %dma_wait3A_207 = tpu.memref_slice %arg13[%dma_wait3A_204, %dma_wait3A_205, %dma_wait3A_206] : memref<2x200x64xf32, #tpu.memory_space<vmem>> -> memref<1x200x64xf32, #tpu.memory_space<vmem>>
    %dma_wait3A_208 = tpu.memref_squeeze %dma_wait3A_207 : memref<1x200x64xf32, #tpu.memory_space<vmem>> -> memref<200x64xf32, #tpu.memory_space<vmem>>
    %dma_wait3A_209 = arith.constant 0 : i32
    %dma_wait3A_210 = arith.constant 0 : i32
    %dma_wait3A_211 = tpu.memref_slice %arg7[%add3A_203, %dma_wait3A_209, %dma_wait3A_210] : memref<4096x200x64xf32, #tpu.memory_space<hbm>> -> memref<1x200x64xf32, #tpu.memory_space<hbm>>
    %dma_wait3A_212 = tpu.memref_squeeze %dma_wait3A_211 : memref<1x200x64xf32, #tpu.memory_space<hbm>> -> memref<200x64xf32, #tpu.memory_space<hbm>>
    %dma_wait3A_213 = arith.constant 0 : i32
    %dma_wait3A_214 = arith.constant 0 : i32
    %dma_wait3A_215 = tpu.memref_slice %arg7[%add3A_203, %dma_wait3A_213, %dma_wait3A_214] : memref<4096x200x64xf32, #tpu.memory_space<hbm>> -> memref<1x200x64xf32, #tpu.memory_space<hbm>>
    %dma_wait3A_216 = tpu.memref_squeeze %dma_wait3A_215 : memref<1x200x64xf32, #tpu.memory_space<hbm>> -> memref<200x64xf32, #tpu.memory_space<hbm>>
    %dma_wait3A_217 = arith.constant 0 : i32
    %dma_wait3A_218 = arith.constant 0 : i32
    %dma_wait3A_219 = tpu.memref_slice %arg13[%dma_wait3A_204, %dma_wait3A_217, %dma_wait3A_218] : memref<2x200x64xf32, #tpu.memory_space<vmem>> -> memref<1x200x64xf32, #tpu.memory_space<vmem>>
    %dma_wait3A_220 = tpu.memref_squeeze %dma_wait3A_219 : memref<1x200x64xf32, #tpu.memory_space<vmem>> -> memref<200x64xf32, #tpu.memory_space<vmem>>
    tpu.wait_dma2 semaphore(%arg18 : memref<!tpu.dma_semaphore, #tpu.memory_space<semaphore_mem>>) src(%dma_wait3A_220 : memref<200x64xf32, #tpu.memory_space<vmem>>) dst(%dma_wait3A_216 : memref<200x64xf32, #tpu.memory_space<hbm>>)
    return
  }
}

</mosaic_0001>

<sc_bundles>
// kernel: kernel.3.cloned.1.call-start
scs
__scs_entry_jumppad:
0x0: {  	(pc) =	sbr.rel $0x88, $3  }
0x1: {  	(tag) =	ssettag $0x0;
	lr =	simm.s32 $0x1  }
0x2: {  	[smem:$0x3F9C] =	sst lr;
	_ =	strace $0xD0000000  }
0x3: {  	_ = 	snop  }
0x4: {  	_ = 	snop  }
0x5: {  	_ = 	snop  }
0x6: {  	_ = 	snop  }
0x7: {  	_ = 	snop  }
__scs_overlays_trampoline_lowered:
0x8: {  	[smem:$0x3FAB] =	sst s0  }
0x9: {  	[smem:$0x3FAC] =	sst s1  }
0xa: {  	[smem:$0x3FAD] =	sst s2  }
0xb: {  	[smem:$0x3FAE] =	sst s3  }
0xc: {  	[smem:$0x3FAF] =	sst s4  }
0xd: {  	[smem:$0x3FB0] =	sst s5  }
0xe: {  	[smem:$0x3FB1] =	sst s6  }
0xf: {  	[smem:$0x3FB2] =	sst s7  }
0x10: {  	[smem:$0x3FB3] =	sst s8  }
0x11: {  	[smem:$0x3FB4] =	sst s9;
	s0 =	simm.s32 @!p0 $0x0  }
0x12: {  	s1 =	sld [smem:$0x3F9A];
	s0 =	simm.s32 @p0 $0x1  }
0x13: {  	[smem:$0x3FB5] =	sst s0;
	s0 =	simm.s32 @!p1 $0x0  }
0x14: {  	s2 =	sld [smem:$0x3F99];
	s0 =	simm.s32 @p1 $0x1  }
0x15: {  	[smem:$0x3FB6] =	sst s0;
	s0 =	simm.s32 @!p2 $0x0  }
0x16: {  	s3 =	sld [smem:$0x3FDB];
	s0 =	simm.s32 @p2 $0x1  }
0x17: {  	s4 =	simm.s32 $0x1BF5;
	[smem:$0x3FB8] =	sst s0  }
0x18: {  	s0 =	sld [smem:$0x3F9B];
	_ =	swait.ge [sflag:s4], $0x0  }
0x19: {  	s7 =	sld [smem:$0x3F9C]  }
0x1a: {  	s8 =	sadd.s32 $0xFFFFE003, lr  }
0x1b: {  	s9 =	sadd.s32 $0xFFFFFEF7, lr;
	s5 =	simm.s32 $0xFFFFFFFF;
	p2 =	slt.u32 s8, $0xFFFFF086  }
0x1c: {  	p1 =	slt.u32 s9, $0xF7A;
	s5 =	simm.s32 @!p2 $0x0  }
0x1d: {  	s5 =	simm.s32 @p1 $0x1;
	p0 =	seq.s32 s7, s2  }
0x1e: {  	s7 =	smul.u32 @!p0 $0xF7A, s2;
	p2 =	seq.s32 @!p0 s5, $0x0  }
0x1f: {  	s9 =	smul.u32 $0xF7A, s1;
	s8 =	simm.s32 @!p0 $0x1BF5;
	p2 =	por !p2, p0  }
0x20: {  	[sflag:s8] =	ssyncset.s32 @!p0 $0xFFFFF086;
	s6 =	sadd.s32 @!p0 s3, s7;
	s7 =	simm.s32 @!p0 $0x108  }
0x21: {  	s3 =	sadd.s32 s3, s9;
	s6 =	sadd.s32 @!p0 $0x88, s6;
	s7 =	simm.s32 @p2 $0x1082  }
0x22: {  	[simem:s7], [sflag:s8] =	dma.local @!p0 [hbm:s6], $0xF7A  }
0x23: {  	s9 =	sor.u32 $0xD0000000, s2;
	s6 =	simm.s32 $0x108;
	_ =	swait.ge @!p0 [sflag:s8], $0x0  }
0x24: {  	s3 =	sadd.s32 $0x88, s3;
	s6 =	simm.s32 @!p1 $0x1082;
	[sflag:s4] =	ssyncset.s32 $0xFFFFF086  }
0x25: {  	[simem:s6], [sflag:s4] =	dma.local [hbm:s3], $0xF7A  }
0x26: {  	[smem:$0x3F9C] =	sst s1;
	(tag) =	ssettag s2;
	_ =	strace s9  }
0x27: {  	s1 =	sld [smem:$0x3FAC]  }
0x28: {  	s2 =	sld [smem:$0x3FAD]  }
0x29: {  	s4 =	sld [smem:$0x3FAF]  }
0x2a: {  	p0 =	seq.s32 s5, $0x0;
	s5 =	sld [smem:$0x3FB0]  }
0x2b: {  	s6 =	sld [smem:$0x3FB1]  }
0x2c: {  	s7 =	sld [smem:$0x3FB2]  }
0x2d: {  	s3 =	simm.s32 $0x108;
	s8 =	sld [smem:$0x3FB3]  }
0x2e: {  	s3 =	simm.s32 @!p0 $0x1082;
	s9 =	sld [smem:$0x3FB4]  }
0x2f: {  	lr =	sadd.s32 s0, s3;
	s0 =	sld [smem:$0x3FAB]  }
0x30: {  	s3 =	sld [smem:$0x3FAE]  }
0x31: {  	[smem:$0x3FB7] =	sst s10  }
0x32: {  	s10 =	sld [smem:$0x3FB5];
	_ =	sdelay $0x3  }
0x33: {  	p0 =	seq.s32 s10, $0x1;
	s10 =	sld [smem:$0x3FB7];
	_ =	sdelay $0x3  }
0x34: {  	[smem:$0x3FB7] =	sst s10  }
0x35: {  	s10 =	sld [smem:$0x3FB6];
	_ =	sdelay $0x3  }
0x36: {  	p1 =	seq.s32 s10, $0x1;
	s10 =	sld [smem:$0x3FB7];
	_ =	sdelay $0x3  }
0x37: {  	[smem:$0x3FB7] =	sst s10  }
0x38: {  	s10 =	sld [smem:$0x3FB8]  }
0x39: {  	_ = 	snop;
	(pc) =	sbr.ind lr, $3  }
0x3a: {  	_ = 	snop  }
0x3b: {  	_ = 	snop  }
0x3c: {  	p2 =	seq.s32 s10, $0x1;
	s10 =	sld [smem:$0x3FB7]  }
0x3d: {  	_ =	shalt  }
0x3e: {  	_ =	shalt  }
0x3f: {  	_ =	shalt  }
0x40: {  	_ =	shalt  }
0x41: {  	_ =	shalt  }
0x42: {  	_ =	shalt  }
0x43: {  	_ =	shalt  }
0x44: {  	_ =	shalt  }
0x45: {  	_ =	shalt  }
0x46: {  	_ =	shalt  }
0x47: {  	_ =	shalt  }
0x48: {  	_ =	shalt  }
0x49: {  	_ =	shalt  }
0x4a: {  	_ =	shalt  }
0x4b: {  	_ =	shalt  }
0x4c: {  	_ =	shalt  }
0x4d: {  	_ =	shalt  }
0x4e: {  	_ =	shalt  }
0x4f: {  	_ =	shalt  }
0x50: {  	_ =	shalt  }
0x51: {  	_ =	shalt  }
0x52: {  	_ =	shalt  }
0x53: {  	_ =	shalt  }
0x54: {  	_ =	shalt  }
0x55: {  	_ =	shalt  }
0x56: {  	_ =	shalt  }
0x57: {  	_ =	shalt  }
0x58: {  	_ =	shalt  }
0x59: {  	_ =	shalt  }
0x5a: {  	_ =	shalt  }
0x5b: {  	_ =	shalt  }
0x5c: {  	_ =	shalt  }
0x5d: {  	_ =	shalt  }
0x5e: {  	_ =	shalt  }
0x5f: {  	_ =	shalt  }
0x60: {  	_ =	shalt  }
0x61: {  	_ =	shalt  }
0x62: {  	_ =	shalt  }
0x63: {  	_ =	shalt  }
0x64: {  	_ =	shalt  }
0x65: {  	_ =	shalt  }
0x66: {  	_ =	shalt  }
0x67: {  	_ =	shalt  }
0x68: {  	_ =	shalt  }
0x69: {  	_ =	shalt  }
0x6a: {  	_ =	shalt  }
0x6b: {  	_ =	shalt  }
0x6c: {  	_ =	shalt  }
0x6d: {  	_ =	shalt  }
0x6e: {  	_ =	shalt  }
0x6f: {  	_ =	shalt  }
0x70: {  	_ =	shalt  }
0x71: {  	_ =	shalt  }
0x72: {  	_ =	shalt  }
0x73: {  	_ =	shalt  }
0x74: {  	_ =	shalt  }
0x75: {  	_ =	shalt  }
0x76: {  	_ =	shalt  }
0x77: {  	_ =	shalt  }
0x78: {  	_ =	shalt  }
0x79: {  	_ =	shalt  }
0x7a: {  	_ =	shalt  }
0x7b: {  	_ =	shalt  }
0x7c: {  	_ =	shalt  }
0x7d: {  	_ =	shalt  }
0x7e: {  	_ =	shalt  }
0x7f: {  	_ =	shalt  }
0x80: {  	_ =	shalt  }
0x81: {  	_ =	shalt  }
0x82: {  	_ =	shalt  }
0x83: {  	_ =	shalt  }
0x84: {  	_ =	shalt  }
0x85: {  	_ =	shalt  }
0x86: {  	_ =	shalt  }
0x87: {  	_ =	shalt  }
.Lfunc_end0:
.L_simem_size_0:
called_computation.1_lowered:
.L_overlay_start_0:
0x88: {  	s2 =	sld [smem:$0x3FD9]  }
0x89: {  	s3 =	sld [smem:$0x3FFE];
	_ =	sdelay $0x1  }
0x8a: {  	s1 =	srdreg.scid  }
0x8b: {  	s0 =	sand.u32 $0x1, s1  }
0x8c: {  	s17 =	sshll.u32 s0, $0xA;
	s2 =	sadd.s32 s3, s2  }
0x8d: {  	s2 =	sadd.s32 s2, s17  }
0x8e: {  	[smem:$0x3FC3] =	sst s2  }
0x8f: {  	_ = 	snop  }
0x90: {  	s2 =	sld [smem:$0x3FC8]  }
0x91: {  	s18 =	sld [smem:$0x3FD0];
	(tm) =	ssettm $0x1  }
0x92: {  	s4 =	sld [smem:$0x3FFB];
	_ =	sdelay $0x3  }
0x93: {  	_ =	strace s4  }
0x94: {  	s4 =	sld [smem:$0x3FFC];
	_ =	sdelay $0x3  }
0x95: {  	_ =	strace s4  }
0x96: {  	s4 =	sld [smem:$0x3FFD];
	_ =	sdelay $0x3  }
0x97: {  	_ =	strace s4  }
0x98: {  	_ =	strace $0x8FFFFFFF  }
0x99: {  	s19 =	sld [smem:$0x3FDB];
	_ =	sdelay $0x1  }
0x9a: {  	s5 =	simm.s32 $_scs_section_size  }
0x9b: {  	s6 =	simm.s32 $_size__tile_overlayer_lowered;
	s7 =	simm.s32 $_tile_overlayer_lowered  }
0x9c: {  	s22 =	simm.s32 $0x1BFF;
	s21 =	sshll.u32 s7, $0x1;
	s4 =	sadd.s32 s5, s19  }
0x9d: {  	s8 =	simm.s32 $0x0;
	s20 =	sshll.u32 s6, $0x1;
	s6 =	sadd.s32 s21, s4  }
0x9e: {  	[timem:s8], [sflag:s22] =	dma.local [hbm:s6], s20  }
0x9f: {  	_ =	swait.ge [sflag:s22], s20  }
0xa0: {  	s5 =	ssub.s32 $0x0, s20;
	[sflag:s22] =	ssyncset.done $0x0  }
0xa1: {  	[sflag:s22] =	ssyncadd.s32 s5;
	_ =	sdelay $0x1  }
0xa2: {  	s23 =	simm.s32 $0x1B8B  }
0xa3: {  	_ =	swait.ge [sflag:s23], $0x1  }
0xa4: {  	[sflag:s23] =	ssyncset.done $0x0  }
0xa5: {  	s25 =	simm.s32 $0x1B8E;
	s24 =	sld [smem:$0x3FFE];
	[sflag:s23] =	ssyncadd.s32 $0xFFFFFFFF  }
0xa6: {  	s26 =	simm.s32 $execute0_lowered;
	[smem:$0x3FD2] =	sst s25  }
0xa7: {  	s6 =	sshll.u32 s26, $0x1;
	_ =	strace $0x80000046;
	[dreg:$0x1] =	wrdreg $0xFFFFFFFF  }
0xa8: {  	s28 =	simm.s32 $_size_execute0_lowered;
	s4 =	sadd.s32 s4, s6;
	[dreg:$0x0] =	wrdreg $0x0  }
0xa9: {  	s6 =	sshll.u32 s28, $0x1;
	[dreg:$0x2] =	wrdreg s4  }
0xaa: {  	[dreg:$0x3] =	wrdreg s6  }
0xab: {  	[dreg:$0x4] =	wrdreg $0xC0  }
0xac: {  	_ =	task [dreg:s8], $0x5FFFF  }
0xad: {  	[dreg:$0x1] =	wrdreg $0xFFFFFFFF  }
0xae: {  	[dreg:$0x0] =	wrdreg $0x60  }
0xaf: {  	[dreg:$0x2] =	wrdreg s24  }
0xb0: {  	[dreg:$0x3] =	wrdreg s2  }
0xb1: {  	[dreg:$0x4] =	wrdreg s18  }
0xb2: {  	[dreg:$0x5] =	wrdreg $0x17E800  }
0xb3: {  	[dreg:$0x6] =	wrdreg $0x9  }
0xb4: {  	_ =	task.clear_ibuf [dreg:s8], $0x7FFFF;
	_ =	strace $0x90000046  }
0xb5: {  	s29 =	simm.s32 $0x9;
	_ =	strace $0x80000048  }
0xb6: {  	_ =	swait.ge [sflag:s29], $0x1  }
0xb7: {  	[sflag:s29] =	ssyncadd.s32 $0xFFFFFFFF  }
0xb8: {  	_ =	strace $0x90000048  }
0xb9: {  	_ =	sfence  }
0xba: {  	s30 =	sld [smem:$0x0];
	_ =	sdelay $0x2  }
0xbb: {  	s31 =	sshll.u32 s1, $0xD;
	s1 =	sshrl.u32 s1, $0x2  }
0xbc: {  	s3 =	sand.u32 $0x4000, s31;
	s1 =	sadd.s32 s1, s30  }
0xbd: {  	s0 =	sor.u32 s3, s0;
	s1 =	sshll.u32 s1, $0x11  }
0xbe: {  	s0 =	sor.u32 s1, s0  }
0xbf: {  	s0 =	sadd.s32 $0x8F2B, s0  }
0xc0: {  	[sflag:s0] =	ssyncadd.remote.s32 $0x1  }
0xc1: {  	_ =	sfence.sel $0xFFFF  }
0xc2: {  	[dreg:$0x0] =	wrdreg $0xFFFFFFFF;
	(pc) =	sbr.abs _section_cstart, $3  }
0xc3: {  	[dreg:$0x1] =	wrdreg $0xFFFFFFFF  }
0xc4: {  	_ =	task.clear_ibuf [dreg:s8], $0x2FFFF;
	_ =	strace $0x9FFFFFFF  }
0xc5: {  	(tm) =	ssettm $0x7FFFFFFF  }
tec
execute0_lowered:
.L_overlay_start_1:
0x0: {  	(tag) =	ssettag $0x1  }
0x1: {  	s0 =	rddreg [dreg:$0x0]  }
0x2: {  	s1 =	rddreg [dreg:$0x1];
	s3 =	srdreg.scid  }
0x3: {  	s2 =	rddreg [dreg:$0x2];
	s10 =	stileid.u32;
	s4 =	simm.s32 $0x0  }
0x4: {  	s14 =	simm.s32 $0x6;
	s15 =	simm.s32 $0xE880;
	s17 =	simm.s32 $0xEC80  }
0x5: {  	s18 =	simm.s32 $0xF080;
	s20 =	simm.s32 $0xF480;
	s28 =	simm.s32 $0x11080  }
0x6: {  	s29 =	simm.s32 $0x11480;
	s30 =	simm.s32 $0x11680;
	s31 =	simm.s32 $0x1  }
0x7: {  	s6 =	sand.u32 $0x1, s3;
	s3 =	rddreg [dreg:$0x3];
	s5 =	sshll.u32 s10, $0x8  }
0x8: {  	[smem:$0x7FF] =	sst s4;
	s8 =	sshll.u32 s10, $0xC;
	s9 =	sadd.s32 $0x1200, s0  }
0x9: {  	s23 =	sshll.u32 s10, $0xF;
	s24 =	sshll.u32 s10, $0x6;
	s7 =	sshll.u32 s6, $0x7  }
0xa: {  	_ =	strace $0x80000047;
	s6 =	ssub.s32 $0x2, s6;
	s8 =	sadd.s32 s8, s0  }
0xb: {  	[dreg:$0x5] =	wrdreg s9;
	s9 =	simm.s32 $0x0;
	s5 =	sor.u32 s7, s5  }
0xc: {  	s21 =	sshrl.u32 s6, $0x1;
	s8 =	sadd.s32 $0x1C200, s8;
	s7 =	smul.u32 $0x19, s5  }
0xd: {  	s22 =	ssub.s32 s6, s21;
	s6 =	sadd.s32 s23, s3;
	[dreg:$0x7] =	wrdreg s8  }
0xe: {  	s8 =	sor.u32 $0x1C06, s24;
	s25 =	sshrl.u32 s5, $0x3;
	s21 =	simm.s32 $0xF880  }
0xf: {  	s23 =	simm.s32 $0x10080;
	s24 =	simm.s32 $0x10480;
	[dreg:$0x8] =	wrdreg s8  }
0x10: {  	s1 =	sadd.s32 s1, s25;
	s26 =	sshrl.u32 s6, $0x3;
	s25 =	simm.s32 $0x10880  }
0x11: {  	s6 =	simm.s32 $0x14C80;
	s8 =	simm.s32 $0x4;
	[dreg:$0xa] =	wrdreg s1  }
0x12: {  	s7 =	sadd.s32 s7, s0;
	s0 =	sadd.s32 $0xA00, s0;
	[dreg:$0xc] =	wrdreg s26  }
0x13: {  	s26 =	simm.s32 $0x10C80;
	[dreg:$0x6] =	wrdreg s0;
	s7 =	sadd.s32 $0x3200, s7  }
0x14: {  	s1 =	simm.s32 $0x11A80;
	s0 =	smax.u32 s22, $0x1;
	[dreg:$0x9] =	wrdreg s7  }
0x15: {  	vm0 =	vmmov $0xffff;
	s22 =	simm.s32 $0xFC80;
	[dreg:$0xb] =	wrdreg s0;
	s0 =	simm.s32 $0x2  }
.LBB2_1:
0x16: {  	s7 =	rddreg [dreg:$0x7]  }
0x17: {  	s10 =	rddreg [dreg:$0x8]  }
0x18: {  	s11 =	rddreg [dreg:$0xc]  }
0x19: {  	[spmem:s11], [sflag:s10] =	dma.local [hbm:s7], $0x1000  }
0x1a: {  	_ =	swait.ge [sflag:s14], $0x1000  }
0x1b: {  	[sflag:s14] =	ssyncset.done $0x0  }
0x1c: {  	[sflag:s14] =	ssyncadd.s32 $0xFFFFF000  }
0x1d: {  	[bflag:$0x0] =	sbarrier.arrive $0xFFFF  }
0x1e: {  	s11 =	rddreg [dreg:$0x6]  }
0x1f: {  	[tilespmem:s4], [sflag:$0x6] =	stream.linear.gather [hbm4b:s11+s4], $0x3200, $0x38;
	[tilespmem:$0x1FE80] =	vst v63  }
0x20: {  	_ =	swait.ge [sflag:s14], $0x3200  }
0x21: {  	[sflag:s14] =	ssyncset.done $0x0  }
0x22: {  	s13 =	simm.s32 $0x5280;
	s12 =	rddreg [dreg:$0x9];
	[sflag:s14] =	ssyncadd.s32 $0xFFFFCE00  }
0x23: {  	[tilespmem:s13], [sflag:$0x6] =	stream.linear.gather [hbm4b:s12+s4], $0x6400, $0x38;
	[tilespmem:$0x1FE80] =	vst v63  }
0x24: {  	_ =	swait.ge [sflag:s14], $0x6400  }
0x25: {  	[sflag:s14] =	ssyncset.done $0x0  }
0x26: {  	s19 =	simm.s32 $0x3200;
	s16 =	rddreg [dreg:$0xa];
	[sflag:s14] =	ssyncadd.s32 $0xFFFF9C00  }
0x27: {  	[tilespmem:s19], [sflag:$0x6] =	stream.linear.gather [hbm4b:s16+s4], $0x80, $0x38;
	[tilespmem:$0x1FE80] =	vst v63  }
0x28: {  	_ =	swait.ge [sflag:s14], $0x80  }
0x29: {  	s13 =	simm.s32 $0x80;
	s12 =	simm.s32 $0x3280;
	[sflag:s14] =	ssyncset.done $0x0  }
0x2a: {  	s16 =	simm.s32 $0x5;
	s11 =	rddreg [dreg:$0x5];
	[sflag:s14] =	ssyncadd.s32 $0xFFFFFF80  }
0x2b: {  	[tilespmem:s12], [sflag:$0x5] =	stream.indirect.gather [hbm4b:s11+s13], $0x40, s19, s13, $0xb8;
	[tilespmem:$0x1FE80] =	vst v63  }
0x2c: {  	_ =	swait.ge [sflag:s16], $0x2000  }
0x2d: {  	[sflag:s16] =	ssyncset.done $0x0  }
0x2e: {  	[sflag:s16] =	ssyncadd.s32 $0xFFFFE000  }
0x2f: {  	v0 =	vld [tilespmem:$0x5280]  }
0x30: {  	v1 =	vld [tilespmem:$0x5290]  }
0x31: {  	v2 =	vld [tilespmem:$0x52A0]  }
0x32: {  	v3 =	vld [tilespmem:$0x52B0]  }
0x33: {  	v4 =	vld [tilespmem:$0x52C0]  }
0x34: {  	v5 =	vld [tilespmem:$0x52D0]  }
0x35: {  	v6 =	vld [tilespmem:$0x52E0]  }
0x36: {  	v7 =	vld [tilespmem:$0x52F0]  }
0x37: {  	v8 =	vld [tilespmem:$0x5300]  }
0x38: {  	v9 =	vld [tilespmem:$0x5310]  }
0x39: {  	v10 =	vld [tilespmem:$0x5320]  }
0x3a: {  	s19 =	simm.s32 $0xB680;
	v11 =	vld [tilespmem:$0x5330]  }
0x3b: {  	v12 =	vld [tilespmem:$0x5338];
	[tilespmem:s19], [sflag:$0x1] =	stream.indirect_vreg.gather [spmem:s3], $0x40, v0, vm0, $0xb8  }
0x3c: {  	s10 =	simm.s32 $0xBA80  }
0x3d: {  	[tilespmem:s10], [sflag:$0x1] =	stream.indirect_vreg.gather [spmem:s3], $0x40, v1, vm0, $0xb8;
	[tilespmem:$0x1FE80] =	vst v63  }
0x3e: {  	s11 =	simm.s32 $0xBE80  }
0x3f: {  	[tilespmem:s11], [sflag:$0x1] =	stream.indirect_vreg.gather [spmem:s3], $0x40, v2, vm0, $0xb8;
	[tilespmem:$0x1FE80] =	vst v63  }
0x40: {  	s12 =	simm.s32 $0xC280  }
0x41: {  	[tilespmem:s12], [sflag:$0x1] =	stream.indirect_vreg.gather [spmem:s3], $0x40, v3, vm0, $0xb8;
	[tilespmem:$0x1FE80] =	vst v63  }
0x42: {  	s13 =	simm.s32 $0xC680  }
0x43: {  	[tilespmem:s13], [sflag:$0x1] =	stream.indirect_vreg.gather [spmem:s3], $0x40, v4, vm0, $0xb8;
	[tilespmem:$0x1FE80] =	vst v63  }
0x44: {  	s16 =	simm.s32 $0xCA80  }
0x45: {  	[tilespmem:s16], [sflag:$0x1] =	stream.indirect_vreg.gather [spmem:s3], $0x40, v5, vm0, $0xb8;
	[tilespmem:$0x1FE80] =	vst v63  }
0x46: {  	s19 =	simm.s32 $0xCE80  }
0x47: {  	[tilespmem:s19], [sflag:$0x1] =	stream.indirect_vreg.gather [spmem:s3], $0x40, v6, vm0, $0xb8;
	[tilespmem:$0x1FE80] =	vst v63  }
0x48: {  	s10 =	simm.s32 $0xD280  }
0x49: {  	[tilespmem:s10], [sflag:$0x1] =	stream.indirect_vreg.gather [spmem:s3], $0x40, v7, vm0, $0xb8;
	[tilespmem:$0x1FE80] =	vst v63  }
0x4a: {  	s11 =	simm.s32 $0xD680  }
0x4b: {  	[tilespmem:s11], [sflag:$0x1] =	stream.indirect_vreg.gather [spmem:s3], $0x40, v8, vm0, $0xb8;
	[tilespmem:$0x1FE80] =	vst v63  }
0x4c: {  	s12 =	simm.s32 $0xDA80  }
0x4d: {  	[tilespmem:s12], [sflag:$0x1] =	stream.indirect_vreg.gather [spmem:s3], $0x40, v9, vm0, $0xb8;
	[tilespmem:$0x1FE80] =	vst v63  }
0x4e: {  	s13 =	simm.s32 $0xDE80  }
0x4f: {  	[tilespmem:s13], [sflag:$0x1] =	stream.indirect_vreg.gather [spmem:s3], $0x40, v10, vm0, $0xb8;
	[tilespmem:$0x1FE80] =	vst v63  }
0x50: {  	s16 =	simm.s32 $0xE280  }
0x51: {  	[tilespmem:s16], [sflag:$0x1] =	stream.indirect_vreg.gather [spmem:s3], $0x40, v11, vm0, $0xb8;
	[tilespmem:$0x1FE80] =	vst v63  }
0x52: {  	s19 =	simm.s32 $0xE480;
	s16 =	simm.s32 $0x0  }
0x53: {  	[tilespmem:s19], [sflag:$0x1] =	stream.indirect_vreg.gather [spmem:s3], $0x40, v12, vm0, $0xb8;
	[tilespmem:$0x1FE80] =	vst v63  }
.LBB2_2:
0x54: {  	s10 =	sshllo.u32 s16, $0x1  }
0x55: {  	s11 =	smul.u32 $0x320, s10;
	_ =	sdelay $0x1  }
0x56: {  	s11 =	sshra.s32 s11, $0x2  }
0x57: {  	v0 =	vld [tilespmem:s11+$0x5280]  }
0x58: {  	v1 =	vld [tilespmem:s11+$0x5290]  }
0x59: {  	v2 =	vld [tilespmem:s11+$0x52A0]  }
0x5a: {  	v3 =	vld [tilespmem:s11+$0x52B0]  }
0x5b: {  	v4 =	vld [tilespmem:s11+$0x52C0]  }
0x5c: {  	v5 =	vld [tilespmem:s11+$0x52D0]  }
0x5d: {  	v6 =	vld [tilespmem:s11+$0x52E0]  }
0x5e: {  	v7 =	vld [tilespmem:s11+$0x52F0]  }
0x5f: {  	v8 =	vld [tilespmem:s11+$0x5300]  }
0x60: {  	v9 =	vld [tilespmem:s11+$0x5310]  }
0x61: {  	v10 =	vld [tilespmem:s11+$0x5320]  }
0x62: {  	v11 =	vld [tilespmem:s11+$0x5330]  }
0x63: {  	v12 =	vld [tilespmem:s11+$0x5338];
	[tilespmem:s15], [sflag:$0x2] =	stream.indirect_vreg.gather [spmem:s3], $0x40, v0, vm0, $0xb8  }
0x64: {  	_ = 	snop  }
0x65: {  	[tilespmem:s17], [sflag:$0x2] =	stream.indirect_vreg.gather [spmem:s3], $0x40, v1, vm0, $0xb8;
	[tilespmem:$0x1FE80] =	vst v63  }
0x66: {  	_ = 	snop  }
0x67: {  	[tilespmem:s18], [sflag:$0x2] =	stream.indirect_vreg.gather [spmem:s3], $0x40, v2, vm0, $0xb8;
	[tilespmem:$0x1FE80] =	vst v63  }
0x68: {  	_ = 	snop  }
0x69: {  	[tilespmem:s20], [sflag:$0x2] =	stream.indirect_vreg.gather [spmem:s3], $0x40, v3, vm0, $0xb8;
	[tilespmem:$0x1FE80] =	vst v63  }
0x6a: {  	_ = 	snop  }
0x6b: {  	[tilespmem:s21], [sflag:$0x2] =	stream.indirect_vreg.gather [spmem:s3], $0x40, v4, vm0, $0xb8;
	[tilespmem:$0x1FE80] =	vst v63  }
0x6c: {  	_ = 	snop  }
0x6d: {  	[tilespmem:s22], [sflag:$0x2] =	stream.indirect_vreg.gather [spmem:s3], $0x40, v5, vm0, $0xb8;
	[tilespmem:$0x1FE80] =	vst v63  }
0x6e: {  	_ = 	snop  }
0x6f: {  	[tilespmem:s23], [sflag:$0x2] =	stream.indirect_vreg.gather [spmem:s3], $0x40, v6, vm0, $0xb8;
	[tilespmem:$0x1FE80] =	vst v63  }
0x70: {  	_ = 	snop  }
0x71: {  	[tilespmem:s24], [sflag:$0x2] =	stream.indirect_vreg.gather [spmem:s3], $0x40, v7, vm0, $0xb8;
	[tilespmem:$0x1FE80] =	vst v63  }
0x72: {  	_ = 	snop  }
0x73: {  	[tilespmem:s25], [sflag:$0x2] =	stream.indirect_vreg.gather [spmem:s3], $0x40, v8, vm0, $0xb8;
	[tilespmem:$0x1FE80] =	vst v63  }
0x74: {  	_ = 	snop  }
0x75: {  	[tilespmem:s26], [sflag:$0x2] =	stream.indirect_vreg.gather [spmem:s3], $0x40, v9, vm0, $0xb8;
	[tilespmem:$0x1FE80] =	vst v63  }
0x76: {  	_ = 	snop  }
0x77: {  	[tilespmem:s28], [sflag:$0x2] =	stream.indirect_vreg.gather [spmem:s3], $0x40, v10, vm0, $0xb8;
	[tilespmem:$0x1FE80] =	vst v63  }
0x78: {  	_ = 	snop  }
0x79: {  	[tilespmem:s29], [sflag:$0x2] =	stream.indirect_vreg.gather [spmem:s3], $0x40, v11, vm0, $0xb8;
	[tilespmem:$0x1FE80] =	vst v63  }
0x7a: {  	_ = 	snop  }
0x7b: {  	[tilespmem:s30], [sflag:$0x2] =	stream.indirect_vreg.gather [spmem:s3], $0x40, v12, vm0, $0xb8;
	[tilespmem:$0x1FE80] =	vst v63  }
0x7c: {  	_ =	swait.ge [sflag:s31], $0x400  }
0x7d: {  	[sflag:s31] =	ssyncset.done $0x0  }
0x7e: {  	[sflag:s31] =	ssyncadd.s32 $0xFFFFFC00  }
0x7f: {  	_ =	swait.ge [sflag:s31], $0x400  }
0x80: {  	[sflag:s31] =	ssyncset.done $0x0  }
0x81: {  	[sflag:s31] =	ssyncadd.s32 $0xFFFFFC00  }
0x82: {  	_ =	swait.ge [sflag:s31], $0x400  }
0x83: {  	[sflag:s31] =	ssyncset.done $0x0  }
0x84: {  	[sflag:s31] =	ssyncadd.s32 $0xFFFFFC00  }
0x85: {  	_ =	swait.ge [sflag:s31], $0x400  }
0x86: {  	[sflag:s31] =	ssyncset.done $0x0  }
0x87: {  	[sflag:s31] =	ssyncadd.s32 $0xFFFFFC00  }
0x88: {  	_ =	swait.ge [sflag:s31], $0x400  }
0x89: {  	[sflag:s31] =	ssyncset.done $0x0  }
0x8a: {  	[sflag:s31] =	ssyncadd.s32 $0xFFFFFC00  }
0x8b: {  	_ =	swait.ge [sflag:s31], $0x400  }
0x8c: {  	[sflag:s31] =	ssyncset.done $0x0  }
0x8d: {  	[sflag:s31] =	ssyncadd.s32 $0xFFFFFC00  }
0x8e: {  	_ =	swait.ge [sflag:s31], $0x400  }
0x8f: {  	[sflag:s31] =	ssyncset.done $0x0  }
0x90: {  	[sflag:s31] =	ssyncadd.s32 $0xFFFFFC00  }
0x91: {  	_ =	swait.ge [sflag:s31], $0x400  }
0x92: {  	[sflag:s31] =	ssyncset.done $0x0  }
0x93: {  	[sflag:s31] =	ssyncadd.s32 $0xFFFFFC00  }
0x94: {  	_ =	swait.ge [sflag:s31], $0x400  }
0x95: {  	[sflag:s31] =	ssyncset.done $0x0  }
0x96: {  	[sflag:s31] =	ssyncadd.s32 $0xFFFFFC00  }
0x97: {  	_ =	swait.ge [sflag:s31], $0x400  }
0x98: {  	[sflag:s31] =	ssyncset.done $0x0  }
0x99: {  	[sflag:s31] =	ssyncadd.s32 $0xFFFFFC00  }
0x9a: {  	_ =	swait.ge [sflag:s31], $0x400  }
0x9b: {  	[sflag:s31] =	ssyncset.done $0x0  }
0x9c: {  	[sflag:s31] =	ssyncadd.s32 $0xFFFFFC00  }
0x9d: {  	_ =	swait.ge [sflag:s31], $0x400  }
0x9e: {  	[sflag:s31] =	ssyncset.done $0x0  }
0x9f: {  	[sflag:s31] =	ssyncadd.s32 $0xFFFFFC00  }
0xa0: {  	_ =	swait.ge [sflag:s31], $0x400  }
0xa1: {  	p0 =	seq.s32 s16, $0x0;
	[sflag:s31] =	ssyncset.done $0x0  }
0xa2: {  	s11 =	simm.s32 @!p0 $0x3;
	[sflag:s31] =	ssyncadd.s32 $0xFFFFFC00  }
0xa3: {  	_ =	swait.ge @!p0 [sflag:s11], $0x3200  }
0xa4: {  	s12 =	sshll.u32 s16, $0x7;
	[sflag:s11] =	ssyncset.done @!p0 $0x0  }
0xa5: {  	s19 =	sand.u32 $0x3FFFFF80, s12;
	[sflag:s11] =	ssyncadd.s32 @!p0 $0xFFFFCE00  }
0xa6: {  	v2 =	vld [tilespmem:s19+$0x3280]  }
0xa7: {  	v1 =	vld [tilespmem:s19+$0x3290]  }
0xa8: {  	v0 =	vld [tilespmem:s19+$0x32A0]  }
0xa9: {  	s12 =	simm.s32 $0x0;
	v3 =	vld [tilespmem:s19+$0x32B0]  }
0xaa: {  	v6 =	vld [tilespmem:s12+$0xB6B0]  }
0xab: {  	v7 =	vld [tilespmem:s12+$0x30]  }
0xac: {  	v9 =	vld [tilespmem:s12+$0xB680]  }
0xad: {  	v10 =	vld [tilespmem:s12+$0x0]  }
0xae: {  	v5 =	vld [tilespmem:s12+$0xB690]  }
0xaf: {  	v8 =	vld [tilespmem:s12+$0x10]  }
0xb0: {  	v4 =	vld [tilespmem:s12+$0xB6A0];
	v11 =	vadd.f32 v7, v6  }
0xb1: {  	s11 =	simm.s32 $0x40;
	v7 =	vld [tilespmem:s12+$0x20]  }
0xb2: {  	s13 =	sshll.u32 s16, $0x1;
	s19 =	simm.s32 $0x200;
	v6 =	vld [tilespmem:s11+$0xB6B0];
	v9 =	vadd.f32 v10, v9;
	v10 =	vadd.f32 v11, v3  }
.LBB2_3:
0xb3: {  	p1 =	sne.s32 s19, $0xC700;
	v11 =	vld [tilespmem:s11+$0x30]  }
0xb4: {  	v12 =	vld [tilespmem:s11+$0xB680];
	v9 =	vadd.f32 v9, v2;
	v8 =	vadd.f32 v8, v5;
	[tilespmem:s12+$0x11AB0] =	vst v10  }
0xb5: {  	v10 =	vld [tilespmem:s11+$0x0]  }
.Ltmp0:
0xb6: {  	v5 =	vld [tilespmem:s11+$0xB690];
	[tilespmem:s12+$0x11A80] =	vst v9;
	v9 =	vadd.f32 v8, v1;
	v7 =	vadd.f32 v7, v4;
	(pc) =	sbr.rel @p1 .LBB2_3-.Ltmp0, $4  }
0xb7: {  	v8 =	vld [tilespmem:s11+$0x10]  }
0xb8: {  	v4 =	vld [tilespmem:s11+$0xB6A0];
	v11 =	vadd.f32 v11, v6;
	[tilespmem:s12+$0x11A90] =	vst v9;
	v13 =	vadd.f32 v7, v0  }
0xb9: {  	s7 =	sshra.s32 s19, $0x2;
	v7 =	vld [tilespmem:s11+$0x20]  }
0xba: {  	s19 =	sadd.s32 $0x100, s19;
	v6 =	vld [tilespmem:s7+$0xB6B0];
	v9 =	vadd.f32 v10, v12;
	v10 =	vadd.f32 v11, v3;
	[tilespmem:s12+$0x11AA0] =	vst v13;
	s12 =	smov.u32 s11;
	s11 =	smov.u32 s7  }
0xbb: {  	v11 =	vld [tilespmem:s11+$0x30]  }
0xbc: {  	v12 =	vld [tilespmem:s11+$0xB680];
	[tilespmem:s12+$0x11AB0] =	vst v10;
	v9 =	vadd.f32 v9, v2;
	v5 =	vadd.f32 v8, v5  }
0xbd: {  	v10 =	vld [tilespmem:s11+$0x0]  }
0xbe: {  	v8 =	vld [tilespmem:s11+$0xB690];
	[tilespmem:s12+$0x11A80] =	vst v9;
	v5 =	vadd.f32 v5, v1  }
0xbf: {  	v9 =	vld [tilespmem:s11+$0x10]  }
0xc0: {  	v13 =	vld [tilespmem:s11+$0xB6A0];
	[tilespmem:s12+$0x11A90] =	vst v5  }
0xc1: {  	v5 =	vld [tilespmem:s11+$0x20]  }
0xc2: {  	v4 =	vadd.f32 v7, v4  }
0xc3: {  	v6 =	vadd.f32 v11, v6  }
0xc4: {  	v4 =	vadd.f32 v4, v0;
	v7 =	vadd.f32 v10, v12  }
0xc5: {  	v3 =	vadd.f32 v6, v3;
	v6 =	vadd.f32 v9, v8  }
0xc6: {  	[tilespmem:s12+$0x11AA0] =	vst v4;
	v2 =	vadd.f32 v7, v2;
	v4 =	vadd.f32 v5, v13  }
0xc7: {  	s7 =	sadd.s32 s5, s13;
	[tilespmem:s11+$0x11AB0] =	vst v3;
	v1 =	vadd.f32 v6, v1  }
0xc8: {  	s7 =	smul.u32 $0x640, s7;
	[tilespmem:s11+$0x11A80] =	vst v2;
	v0 =	vadd.f32 v4, v0  }
0xc9: {  	p1 =	seq.s32 s16, $0x3F;
	[tilespmem:s11+$0x11A90] =	vst v1  }
0xca: {  	s7 =	sadd.s32 s2, s7;
	[tilespmem:s11+$0x11AA0] =	vst v0;
	s11 =	smul.u32 @!p1 $0x640, s16  }
0xcb: {  	[hbm4b:s7+s4] =	stream.linear.scatter [tilespmem:s1], [sflag:$0x3], $0x3200, $0x38;
	[tilespmem:$0x1FE80] =	vst v63  }
0xcc: {  	s7 =	sshra.s32 @!p1 s11, $0x2  }
0xcd: {  	v0 =	vld @!p1 [tilespmem:s7+$0x5410]  }
0xce: {  	v1 =	vld @!p1 [tilespmem:s7+$0x5420]  }
0xcf: {  	v2 =	vld @!p1 [tilespmem:s7+$0x5430]  }
0xd0: {  	v3 =	vld @!p1 [tilespmem:s7+$0x5440]  }
0xd1: {  	v4 =	vld @!p1 [tilespmem:s7+$0x5450]  }
0xd2: {  	v5 =	vld @!p1 [tilespmem:s7+$0x5460]  }
0xd3: {  	v6 =	vld @!p1 [tilespmem:s7+$0x5470]  }
0xd4: {  	v7 =	vld @!p1 [tilespmem:s7+$0x5480]  }
0xd5: {  	v8 =	vld @!p1 [tilespmem:s7+$0x5490]  }
0xd6: {  	v9 =	vld @!p1 [tilespmem:s7+$0x54A0]  }
0xd7: {  	v10 =	vld @!p1 [tilespmem:s7+$0x54B0]  }
0xd8: {  	v11 =	vld @!p1 [tilespmem:s7+$0x54C0]  }
0xd9: {  	vm1 =	vmmov @!p1 $0xffff;
	v12 =	vld @!p1 [tilespmem:s7+$0x54C8];
	s7 =	simm.s32 @!p1 $0xB680  }
0xda: {  	[tilespmem:s7], [sflag:$0x1] =	stream.indirect_vreg.gather @!p1 [spmem:s3], $0x40, v0, vm1, $0xb8;
	[tilespmem:$0x1FE80] =	vst v63  }
0xdb: {  	s7 =	simm.s32 @!p1 $0xBA80  }
0xdc: {  	[tilespmem:s7], [sflag:$0x1] =	stream.indirect_vreg.gather @!p1 [spmem:s3], $0x40, v1, vm1, $0xb8;
	[tilespmem:$0x1FE80] =	vst v63  }
0xdd: {  	s7 =	simm.s32 @!p1 $0xBE80  }
0xde: {  	[tilespmem:s7], [sflag:$0x1] =	stream.indirect_vreg.gather @!p1 [spmem:s3], $0x40, v2, vm1, $0xb8;
	[tilespmem:$0x1FE80] =	vst v63  }
0xdf: {  	s7 =	simm.s32 @!p1 $0xC280  }
0xe0: {  	[tilespmem:s7], [sflag:$0x1] =	stream.indirect_vreg.gather @!p1 [spmem:s3], $0x40, v3, vm1, $0xb8;
	[tilespmem:$0x1FE80] =	vst v63  }
0xe1: {  	s7 =	simm.s32 @!p1 $0xC680  }
0xe2: {  	[tilespmem:s7], [sflag:$0x1] =	stream.indirect_vreg.gather @!p1 [spmem:s3], $0x40, v4, vm1, $0xb8;
	[tilespmem:$0x1FE80] =	vst v63  }
0xe3: {  	s7 =	simm.s32 @!p1 $0xCA80  }
0xe4: {  	[tilespmem:s7], [sflag:$0x1] =	stream.indirect_vreg.gather @!p1 [spmem:s3], $0x40, v5, vm1, $0xb8;
	[tilespmem:$0x1FE80] =	vst v63  }
0xe5: {  	s7 =	simm.s32 @!p1 $0xCE80  }
0xe6: {  	[tilespmem:s7], [sflag:$0x1] =	stream.indirect_vreg.gather @!p1 [spmem:s3], $0x40, v6, vm1, $0xb8;
	[tilespmem:$0x1FE80] =	vst v63  }
0xe7: {  	s7 =	simm.s32 @!p1 $0xD280  }
0xe8: {  	[tilespmem:s7], [sflag:$0x1] =	stream.indirect_vreg.gather @!p1 [spmem:s3], $0x40, v7, vm1, $0xb8;
	[tilespmem:$0x1FE80] =	vst v63  }
0xe9: {  	s7 =	simm.s32 @!p1 $0xD680  }
0xea: {  	[tilespmem:s7], [sflag:$0x1] =	stream.indirect_vreg.gather @!p1 [spmem:s3], $0x40, v8, vm1, $0xb8;
	[tilespmem:$0x1FE80] =	vst v63  }
0xeb: {  	s7 =	simm.s32 @!p1 $0xDA80  }
0xec: {  	[tilespmem:s7], [sflag:$0x1] =	stream.indirect_vreg.gather @!p1 [spmem:s3], $0x40, v9, vm1, $0xb8;
	[tilespmem:$0x1FE80] =	vst v63  }
0xed: {  	s7 =	simm.s32 @!p1 $0xDE80  }
0xee: {  	[tilespmem:s7], [sflag:$0x1] =	stream.indirect_vreg.gather @!p1 [spmem:s3], $0x40, v10, vm1, $0xb8;
	[tilespmem:$0x1FE80] =	vst v63  }
0xef: {  	s7 =	simm.s32 @!p1 $0xE280  }
0xf0: {  	[tilespmem:s7], [sflag:$0x1] =	stream.indirect_vreg.gather @!p1 [spmem:s3], $0x40, v11, vm1, $0xb8;
	[tilespmem:$0x1FE80] =	vst v63  }
0xf1: {  	s7 =	simm.s32 @!p1 $0xE480  }
0xf2: {  	[tilespmem:s7], [sflag:$0x1] =	stream.indirect_vreg.gather @!p1 [spmem:s3], $0x40, v12, vm1, $0xb8;
	[tilespmem:$0x1FE80] =	vst v63  }
0xf3: {  	_ =	swait.ge [sflag:s0], $0x400  }
0xf4: {  	[sflag:s0] =	ssyncset.done $0x0  }
0xf5: {  	[sflag:s0] =	ssyncadd.s32 $0xFFFFFC00  }
0xf6: {  	_ =	swait.ge [sflag:s0], $0x400  }
0xf7: {  	[sflag:s0] =	ssyncset.done $0x0  }
0xf8: {  	[sflag:s0] =	ssyncadd.s32 $0xFFFFFC00  }
0xf9: {  	_ =	swait.ge [sflag:s0], $0x400  }
0xfa: {  	[sflag:s0] =	ssyncset.done $0x0  }
0xfb: {  	[sflag:s0] =	ssyncadd.s32 $0xFFFFFC00  }
0xfc: {  	_ =	swait.ge [sflag:s0], $0x400  }
0xfd: {  	[sflag:s0] =	ssyncset.done $0x0  }
0xfe: {  	[sflag:s0] =	ssyncadd.s32 $0xFFFFFC00  }
0xff: {  	_ =	swait.ge [sflag:s0], $0x400  }
0x100: {  	[sflag:s0] =	ssyncset.done $0x0  }
0x101: {  	[sflag:s0] =	ssyncadd.s32 $0xFFFFFC00  }
0x102: {  	_ =	swait.ge [sflag:s0], $0x400  }
0x103: {  	[sflag:s0] =	ssyncset.done $0x0  }
0x104: {  	[sflag:s0] =	ssyncadd.s32 $0xFFFFFC00  }
0x105: {  	_ =	swait.ge [sflag:s0], $0x400  }
0x106: {  	[sflag:s0] =	ssyncset.done $0x0  }
0x107: {  	[sflag:s0] =	ssyncadd.s32 $0xFFFFFC00  }
0x108: {  	_ =	swait.ge [sflag:s0], $0x400  }
0x109: {  	[sflag:s0] =	ssyncset.done $0x0  }
0x10a: {  	[sflag:s0] =	ssyncadd.s32 $0xFFFFFC00  }
0x10b: {  	_ =	swait.ge [sflag:s0], $0x400  }
0x10c: {  	[sflag:s0] =	ssyncset.done $0x0  }
0x10d: {  	[sflag:s0] =	ssyncadd.s32 $0xFFFFFC00  }
0x10e: {  	_ =	swait.ge [sflag:s0], $0x400  }
0x10f: {  	[sflag:s0] =	ssyncset.done $0x0  }
0x110: {  	[sflag:s0] =	ssyncadd.s32 $0xFFFFFC00  }
0x111: {  	_ =	swait.ge [sflag:s0], $0x400  }
0x112: {  	[sflag:s0] =	ssyncset.done $0x0  }
0x113: {  	[sflag:s0] =	ssyncadd.s32 $0xFFFFFC00  }
0x114: {  	_ =	swait.ge [sflag:s0], $0x400  }
0x115: {  	[sflag:s0] =	ssyncset.done $0x0  }
0x116: {  	[sflag:s0] =	ssyncadd.s32 $0xFFFFFC00  }
0x117: {  	_ =	swait.ge [sflag:s0], $0x400  }
0x118: {  	[sflag:s0] =	ssyncset.done $0x0  }
0x119: {  	s7 =	simm.s32 @!p0 $0x4;
	[sflag:s0] =	ssyncadd.s32 $0xFFFFFC00  }
0x11a: {  	_ =	swait.ge @!p0 [sflag:s7], $0x3200  }
0x11b: {  	s13 =	sshll.u32 s10, $0x6;
	[sflag:s7] =	ssyncset.done @!p0 $0x0  }
0x11c: {  	s19 =	sand.u32 $0x3FFFFFC0, s13;
	[sflag:s7] =	ssyncadd.s32 @!p0 $0xFFFFCE00  }
0x11d: {  	v2 =	vld [tilespmem:s19+$0x3280]  }
0x11e: {  	v1 =	vld [tilespmem:s19+$0x3290]  }
0x11f: {  	v0 =	vld [tilespmem:s19+$0x32A0]  }
0x120: {  	s12 =	simm.s32 $0x0;
	v3 =	vld [tilespmem:s19+$0x32B0]  }
0x121: {  	v5 =	vld [tilespmem:s12+$0xE8B0]  }
0x122: {  	v7 =	vld [tilespmem:s12+$0x30]  }
0x123: {  	v9 =	vld [tilespmem:s12+$0xE880]  }
0x124: {  	v10 =	vld [tilespmem:s12+$0x0]  }
0x125: {  	v6 =	vld [tilespmem:s12+$0xE890]  }
0x126: {  	v8 =	vld [tilespmem:s12+$0x10]  }
0x127: {  	v4 =	vld [tilespmem:s12+$0xE8A0];
	v11 =	vadd.f32 v7, v5  }
0x128: {  	s11 =	simm.s32 $0x40;
	v7 =	vld [tilespmem:s12+$0x20]  }
0x129: {  	s13 =	simm.s32 $0x200;
	v5 =	vld [tilespmem:s11+$0xE8B0];
	v9 =	vadd.f32 v10, v9;
	v10 =	vadd.f32 v11, v3  }
.LBB2_5:
0x12a: {  	p0 =	sne.s32 s13, $0xC700;
	v11 =	vld [tilespmem:s11+$0x30]  }
0x12b: {  	v12 =	vld [tilespmem:s11+$0xE880];
	v9 =	vadd.f32 v9, v2;
	v8 =	vadd.f32 v8, v6;
	[tilespmem:s12+$0x14CB0] =	vst v10  }
0x12c: {  	v10 =	vld [tilespmem:s11+$0x0]  }
.Ltmp1:
0x12d: {  	v6 =	vld [tilespmem:s11+$0xE890];
	[tilespmem:s12+$0x14C80] =	vst v9;
	v9 =	vadd.f32 v8, v1;
	v7 =	vadd.f32 v7, v4;
	(pc) =	sbr.rel @p0 .LBB2_5-.Ltmp1, $4  }
0x12e: {  	v8 =	vld [tilespmem:s11+$0x10]  }
0x12f: {  	v4 =	vld [tilespmem:s11+$0xE8A0];
	v11 =	vadd.f32 v11, v5;
	[tilespmem:s12+$0x14C90] =	vst v9;
	v13 =	vadd.f32 v7, v0  }
0x130: {  	s7 =	sshra.s32 s13, $0x2;
	v7 =	vld [tilespmem:s11+$0x20]  }
0x131: {  	s13 =	sadd.s32 $0x100, s13;
	v5 =	vld [tilespmem:s7+$0xE8B0];
	v9 =	vadd.f32 v10, v12;
	v10 =	vadd.f32 v11, v3;
	[tilespmem:s12+$0x14CA0] =	vst v13;
	s12 =	smov.u32 s11;
	s11 =	smov.u32 s7  }
0x132: {  	v11 =	vld [tilespmem:s11+$0x30]  }
0x133: {  	v12 =	vld [tilespmem:s11+$0xE880];
	[tilespmem:s12+$0x14CB0] =	vst v10;
	v9 =	vadd.f32 v9, v2;
	v6 =	vadd.f32 v8, v6  }
0x134: {  	v10 =	vld [tilespmem:s11+$0x0]  }
0x135: {  	v57 =	vld [tilespmem:s11+$0xE890];
	[tilespmem:s12+$0x14C80] =	vst v9;
	v6 =	vadd.f32 v6, v1  }
0x136: {  	v9 =	vld [tilespmem:s11+$0x10]  }
0x137: {  	v13 =	vld [tilespmem:s11+$0xE8A0];
	[tilespmem:s12+$0x14C90] =	vst v6  }
0x138: {  	v6 =	vld [tilespmem:s11+$0x20]  }
0x139: {  	v4 =	vadd.f32 v7, v4  }
0x13a: {  	v5 =	vadd.f32 v11, v5  }
0x13b: {  	v4 =	vadd.f32 v4, v0;
	v58 =	vadd.f32 v10, v12  }
0x13c: {  	s16 =	sadd.s32 $0x1, s16;
	v3 =	vadd.f32 v5, v3;
	v59 =	vadd.f32 v9, v57  }
0x13d: {  	p0 =	sne.s32 s16, $0x40;
	[tilespmem:s12+$0x14CA0] =	vst v4;
	v60 =	vadd.f32 v58, v2;
	v61 =	vadd.f32 v6, v13  }
.Ltmp2:
0x13e: {  	s7 =	sadd.s32 s5, s10;
	[tilespmem:s11+$0x14CB0] =	vst v3;
	v62 =	vadd.f32 v59, v1;
	(pc) =	sbr.rel @p0 .LBB2_2-.Ltmp2, $4  }
0x13f: {  	s7 =	smul.u32 $0x640, s7;
	[tilespmem:s11+$0x14C80] =	vst v60;
	v63 =	vadd.f32 v61, v0  }
0x140: {  	[tilespmem:s11+$0x14C90] =	vst v62  }
0x141: {  	s7 =	sadd.s32 s2, s7;
	[tilespmem:s11+$0x14CA0] =	vst v63  }
0x142: {  	[hbm4b:s7+s4] =	stream.linear.scatter [tilespmem:s6], [sflag:$0x4], $0x3200, $0x38;
	[tilespmem:$0x1FE80] =	vst v63  }
0x143: {  	s7 =	simm.s32 $0x3  }
0x144: {  	_ =	swait.ge [sflag:s7], $0x3200  }
0x145: {  	[sflag:s7] =	ssyncset.done $0x0  }
0x146: {  	[sflag:s7] =	ssyncadd.s32 $0xFFFFCE00  }
0x147: {  	_ =	swait.ge [sflag:s8], $0x3200  }
0x148: {  	s9 =	sadd.s32 $0x1, s9;
	s19 =	rddreg [dreg:$0xb]  }
0x149: {  	p0 =	sne.s32 s9, s19  }
.Ltmp3:
0x14a: {  	_ = 	snop;
	(pc) =	sbr.rel @p0 .LBB2_1-.Ltmp3, $3  }
0x14b: {  	_ =	sdelay $0x1  }
0x14c: {  	[sflag:s8] =	ssyncset.done $0x0  }
0x14d: {  	[sflag:s8] =	ssyncadd.s32 $0xFFFFCE00  }
0x14e: {  	_ =	sfence.sel $0x180000  }
0x14f: {  	[bflag:$0x0] =	sbarrier.arrive $0xFFFF  }
0x150: {  	_ =	strace $0x90000047  }
0x151: {  	s0 =	stileid.u32;
	[bflag:$0x2] =	sbarrier.arrive $0xFFFF  }
0x152: {  	p0 =	sne.s32 s0, $0x0;
	s0 =	rddreg [dreg:$0x4]  }
0x153: {  	s0 =	sadd.s32 @!p0 $0x100000, s0  }
0x154: {  	[sflag:s0] =	ssyncadd.tile.s32 @!p0 $0x1;
	_ =	shalt  }
.Lfunc_end2:
_tile_overlayer_lowered:
.L_overlay_start_2:
0x155: {  	(tag) =	ssettag $0x2  }
0x156: {  	s0 =	rddreg [dreg:$0x0];
	s2 =	stileid.u32  }
0x157: {  	s1 =	rddreg [dreg:$0x1];
	p0 =	sne.s32 s2, $0x0  }
0x158: {  	s3 =	rddreg [dreg:$0x2];
	[bflag:$0x3] =	sbarrier.arrive $0xFFFF;
	s2 =	simm.s32 @!p0 $0x1C06  }
0x159: {  	[timem:s3], [sflag:s2] =	dma.local @!p0 [hbm:s0], s1  }
0x15a: {  	s0 =	simm.s32 @!p0 $0x6  }
0x15b: {  	_ =	swait.ge @!p0 [sflag:s0], s1  }
0x15c: {  	s1 =	ssub.s32 @!p0 $0x0, s1;
	[sflag:s0] =	ssyncset.done @!p0 $0x0  }
0x15d: {  	[sflag:s0] =	ssyncadd.s32 @!p0 s1  }
0x15e: {  	[bflag:$0x3] =	sbarrier.arrive $0xFFFF  }
0x15f: {  	_ =	shalt  }

// kernel: sparse-core-data-format-call.cloned.1.call-start
scs
called_computation_lowered:
.L_overlay_start_0:
0x0: {  	s2 =	sld [smem:$0x3FD9]  }
0x1: {  	s3 =	sld [smem:$0x3FFE];
	_ =	sdelay $0x1  }
0x2: {  	s1 =	srdreg.scid  }
0x3: {  	s0 =	sand.u32 $0x1, s1  }
0x4: {  	s18 =	sshll.u32 s0, $0xA;
	s2 =	sadd.s32 s3, s2  }
0x5: {  	s2 =	sadd.s32 s2, s18  }
0x6: {  	[smem:$0x3FC3] =	sst s2  }
0x7: {  	_ = 	snop  }
0x8: {  	s2 =	sld [smem:$0x3FD0];
	(tm) =	ssettm $0x1  }
0x9: {  	s19 =	sld [smem:$0x3FFB];
	_ =	sdelay $0x3  }
0xa: {  	_ =	strace s19  }
0xb: {  	s3 =	sld [smem:$0x3FFC];
	_ =	sdelay $0x3  }
0xc: {  	_ =	strace s3  }
0xd: {  	s3 =	sld [smem:$0x3FFD];
	_ =	sdelay $0x3  }
0xe: {  	_ =	strace s3  }
0xf: {  	_ =	strace $0x8FFFFFFF  }
0x10: {  	s20 =	sld [smem:$0x3FDB];
	_ =	sdelay $0x1  }
0x11: {  	s4 =	simm.s32 $_scs_section_size  }
0x12: {  	s5 =	simm.s32 $_size__tile_overlayer_lowered;
	s6 =	simm.s32 $_tile_overlayer_lowered  }
0x13: {  	s23 =	simm.s32 $0x1BFF;
	s22 =	sshll.u32 s6, $0x1;
	s3 =	sadd.s32 s4, s20  }
0x14: {  	s7 =	simm.s32 $0x0;
	s21 =	sshll.u32 s5, $0x1;
	s5 =	sadd.s32 s22, s3  }
0x15: {  	[timem:s7], [sflag:s23] =	dma.local [hbm:s5], s21  }
0x16: {  	_ =	swait.ge [sflag:s23], s21  }
0x17: {  	s4 =	ssub.s32 $0x0, s21;
	[sflag:s23] =	ssyncset.done $0x0  }
0x18: {  	[sflag:s23] =	ssyncadd.s32 s4;
	_ =	sdelay $0x1  }
0x19: {  	s24 =	simm.s32 $0x1B8B  }
0x1a: {  	_ =	swait.ge [sflag:s24], $0x1  }
0x1b: {  	[sflag:s24] =	ssyncset.done $0x0  }
0x1c: {  	s26 =	simm.s32 $0x1B8E;
	s25 =	sld [smem:$0x3FFE];
	[sflag:s24] =	ssyncadd.s32 $0xFFFFFFFF  }
0x1d: {  	s27 =	simm.s32 $execute0_lowered;
	[smem:$0x3FD2] =	sst s26  }
0x1e: {  	s5 =	sshll.u32 s27, $0x1;
	_ =	strace $0x80000049;
	[dreg:$0x1] =	wrdreg $0xFFFFFFFF  }
0x1f: {  	s28 =	simm.s32 $_size_execute0_lowered;
	s3 =	sadd.s32 s3, s5;
	[dreg:$0x0] =	wrdreg $0x0  }
0x20: {  	s5 =	sshll.u32 s28, $0x1;
	[dreg:$0x2] =	wrdreg s3  }
0x21: {  	[dreg:$0x3] =	wrdreg s5  }
0x22: {  	[dreg:$0x4] =	wrdreg $0xC0  }
0x23: {  	_ =	task [dreg:s7], $0x5FFFF  }
0x24: {  	[dreg:$0x1] =	wrdreg $0xFFFFFFFF  }
0x25: {  	[dreg:$0x0] =	wrdreg $0x60  }
0x26: {  	[dreg:$0x2] =	wrdreg s25  }
0x27: {  	[dreg:$0x3] =	wrdreg s2  }
0x28: {  	[dreg:$0x4] =	wrdreg $0x9  }
0x29: {  	_ =	task.clear_ibuf [dreg:s7], $0x5FFFF;
	_ =	strace $0x90000049  }
0x2a: {  	s29 =	simm.s32 $0x9;
	_ =	strace $0x8000004B  }
0x2b: {  	_ =	swait.ge [sflag:s29], $0x1  }
0x2c: {  	[sflag:s29] =	ssyncadd.s32 $0xFFFFFFFF  }
0x2d: {  	_ =	strace $0x9000004B  }
0x2e: {  	_ =	sfence  }
0x2f: {  	s30 =	sld [smem:$0x0];
	_ =	sdelay $0x2  }
0x30: {  	s31 =	sshll.u32 s1, $0xD;
	s1 =	sshrl.u32 s1, $0x2  }
0x31: {  	s3 =	sand.u32 $0x4000, s31;
	s1 =	sadd.s32 s1, s30  }
0x32: {  	s0 =	sor.u32 s3, s0;
	s1 =	sshll.u32 s1, $0x11  }
0x33: {  	s0 =	sor.u32 s1, s0  }
0x34: {  	s0 =	sadd.s32 $0x8F2B, s0  }
0x35: {  	[sflag:s0] =	ssyncadd.remote.s32 $0x1  }
0x36: {  	_ =	sfence.sel $0xFFFF  }
0x37: {  	[dreg:$0x0] =	wrdreg $0xFFFFFFFF;
	(pc) =	sbr.abs _section_cstart, $3  }
0x38: {  	[dreg:$0x1] =	wrdreg $0xFFFFFFFF  }
0x39: {  	_ =	task.clear_ibuf [dreg:s7], $0x2FFFF;
	_ =	strace $0x9FFFFFFF  }
0x3a: {  	(tm) =	ssettm $0x7FFFFFFF  }
0x3b: {  	_ =	shalt  }
tec
execute0_lowered:
.L_overlay_start_1:
0x0: {  	(tag) =	ssettag $0x1  }
0x1: {  	s0 =	srdreg.scid  }
0x2: {  	s1 =	sshll.u32 s0, $0x4  }
0x3: {  	s0 =	stileid.u32;
	s1 =	sand.u32 $0x10, s1  }
0x4: {  	s1 =	sor.u32 s0, s1  }
0x5: {  	s6 =	rddreg [dreg:$0x0];
	s4 =	simm.s32 $0x1;
	s2 =	sshll.u32 s1, $0x7  }
0x6: {  	s7 =	simm.s32 $0x2;
	s12 =	simm.s32 $0x0;
	s1 =	ssub.s32 $0x1000, s2  }
0x7: {  	s8 =	simm.s32 $0x8000;
	s13 =	simm.s32 $0x0;
	s3 =	sand.u32 $0xF80, s1  }
0x8: {  	s9 =	simm.s32 $0x0;
	s5 =	sshrl.u32 s1, $0xC;
	p0 =	sne.s32 s3, $0x0  }
.Ltmp0:
0x9: {  	s1 =	rddreg [dreg:$0x2];
	s4 =	simm.s32 @!p0 $0x0;
	(pc) =	sbr.rel .LBB1_1-.Ltmp0, $4  }
0xa: {  	s11 =	simm.s32 $0x0;
	s3 =	rddreg [dreg:$0x1];
	s5 =	sadd.s32 s4, s5  }
0xb: {  	_ =	strace $0x8000004A;
	s4 =	simm.s32 $0x1;
	s5 =	smul.u32 $0xC8, s5  }
0xc: {  	s6 =	sadd.s32 $0xA00, s6;
	s10 =	smov.u32 s2;
	[sflag:s4] =	ssyncpa.u1 $0x0  }
0xd: {  	p0 =	por $0x0, $0x0;
	[sflag:s7] =	ssyncpa.u1 $0x0;
	s7 =	sor.u32 $0x1, s5  }
.LBB1_4:
0xe: {  	s16 =	sshll.u32 s13, $0x3;
	s17 =	sand.u32 $0x78, s13  }
0xf: {  	s30 =	sand.u32 $0x7E00, s13;
	s12 =	sshll.u32 s12, $0xF;
	s16 =	sand.u32 $0xC00, s16  }
0x10: {  	[tilespmem:s15+$0x810 ss:$0x81] =	vst.msk $0xffff, v2;
	s31 =	sand.u32 $0x7, s13;
	s16 =	sor.u32 s17, s16;
	s17 =	sadd.s32 s3, s30  }
0x11: {  	[tilespmem:s15+$0x1020 ss:$0x81] =	vst.msk $0xffff, v0;
	s13 =	sshll.u32 s31, $0x12;
	s12 =	sadd.s32 s12, s17;
	s16 =	sshrl.u32 s16, $0x3  }
0x12: {  	[tilespmem:s15+$0x0 ss:$0x81] =	vst.msk $0xffff, v1;
	s13 =	sor.u32 $0x400, s13;
	s12 =	sadd.s32 s16, s12  }
0x13: {  	[hbm4b:s12+s13] =	stream.strided.scatter [tilespmem:s14], [sflag:$0x2], $0x2000, s8, s13, $0x20;
	[tilespmem:$0x8080] =	vst v63  }
.LBB1_5:
0x14: {  	s14 =	sadd.s32 $0x1, s9  }
0x15: {  	s12 =	sadd.s32 $0x1000, s10;
	s16 =	smov.u32 s10;
	p2 =	sgt.s32 s14, $0xC7  }
0x16: {  	s16 =	smov.u32 @p2 s12  }
0x17: {  	s14 =	simm.s32 @p2 $0x0;
	p2 =	sgt.s32 s16, $0xFFF  }
0x18: {  	s16 =	smov.u32 @p2 s2;
	p2 =	sne.s32 s11, s7  }
.Ltmp1:
0x19: {  	p1 =	slt.u32 s11, $0x2;
	(pc) =	sbr.rel @!p2 .LBB1_6-.Ltmp1, $4  }
0x1a: {  	s15 =	simm.s32 @!p1 $0x2  }
0x1b: {  	s13 =	smov.u32 s10;
	p0 =	por !p0, !p0;
	_ =	swait.ge @!p1 [sflag:s15], $0x2000  }
0x1c: {  	s12 =	smov.u32 s9;
	[sflag:s15] =	ssyncset.done @!p1 $0x0;
	s9 =	smov.u32 s14  }
0x1d: {  	s11 =	sadd.s32 $0x1, s11;
	[sflag:s15] =	ssyncadd.s32 @!p1 $0xFFFFE000;
	s10 =	smov.u32 s16  }
.LBB1_1:
0x1e: {  	p1 =	sge.u32 s11, s5  }
0x1f: {  	s14 =	sand.u32 @!p1 $0x1FFFFFF, s9  }
0x20: {  	s15 =	smulhi.u32 @!p1 $0x147AE15, s14;
	_ =	sdelay $0x1  }
0x21: {  	s15 =	smul.u32 @!p1 $0xC8, s15  }
0x22: {  	s16 =	sxor.u32 @!p1 $0xFFFFFFFF, s11;
	s17 =	smul.u32 @!p1 $0xC80, s10  }
0x23: {  	s31 =	sadd.s32 $0xFFFFFFFF, s11;
	s16 =	sshll.u32 @!p1 s16, $0xD;
	s14 =	ssub.s32 @!p1 s14, s15  }
0x24: {  	s15 =	sand.u32 @!p1 $0x2000, s16;
	s16 =	sadd.s32 @!p1 s6, s17;
	s14 =	sshll.u32 @!p1 s14, $0x4  }
0x25: {  	s17 =	simm.s32 @!p1 $0x6400;
	s14 =	sadd.s32 @!p1 s14, s16;
	s16 =	simm.s32 @!p1 $0x40  }
0x26: {  	[tilespmem:s15], [sflag:$0x1] =	stream.strided.gather @!p1 [hbm4b:s14+s16], $0x2000, s17, s16, $0x38;
	[tilespmem:$0x8080] =	vst v63  }
0x27: {  	p1 =	sge.u32 s31, s5  }
.Ltmp2:
0x28: {  	_ = 	snop;
	(pc) =	sbr.rel @p1 .LBB1_5-.Ltmp2, $1  }
0x29: {  	_ =	sdelay $0x3  }
0x2a: {  	s14 =	simm.s32 $0x1  }
0x2b: {  	_ =	swait.ge [sflag:s4], $0x2000;
	s14 =	simm.s32 @!p0 $0x0  }
0x2c: {  	[sflag:s4] =	ssyncset.done $0x0;
	s15 =	sshll.u32 s14, $0xD  }
0x2d: {  	[sflag:s4] =	ssyncadd.s32 $0xFFFFE000;
	s18 =	sor.u32 $0x20, s15  }
0x2e: {  	s14 =	smul.u32 $0x8100, s14;
	v3 =	vld [tilespmem:s18+$0x10]  }
0x2f: {  	s30 =	sand.u32 $0x1, s11;
	v2 =	vld [tilespmem:s18+$0xFFFFFFF0]  }
0x30: {  	s15 =	smul.u32 $0x8100, s30;
	s14 =	sshrl.u32 s14, $0x2;
	v0 =	vld [tilespmem:s18+$0x0]  }
0x31: {  	v1 =	vld [tilespmem:s18+$0xFFFFFFE0];
	s16 =	sor.u32 $0x4000, s14  }
0x32: {  	s31 =	sshrl.u32 s15, $0x2;
	s15 =	sadd.s32 $0x0, s16  }
0x33: {  	s17 =	simm.s32 $0x4;
	s18 =	sadd.s32 $0x40, s18;
	s14 =	sor.u32 $0x4000, s31;
	[tilespmem:s15+$0x1830 ss:$0x81] =	vst.msk $0xffff, v3  }
.LBB1_3:
0x34: {  	v3 =	vld [tilespmem:s18+$0x10];
	p1 =	sne.s32 s17, $0x1FC;
	[tilespmem:s15+$0x810 ss:$0x81] =	vst.msk $0xffff, v2;
	s19 =	smov.u32 s17;
	s17 =	sadd.s32 $0x4, s17  }
.Ltmp3:
0x35: {  	v2 =	vld [tilespmem:s18+$0xFFFFFFF0];
	[tilespmem:s15+$0x1020 ss:$0x81] =	vst.msk $0xffff, v0;
	(pc) =	sbr.rel @p1 .LBB1_3-.Ltmp3, $4  }
0x36: {  	v0 =	vld [tilespmem:s18+$0x0];
	[tilespmem:s15+$0x0 ss:$0x81] =	vst.msk $0xffff, v1  }
0x37: {  	s15 =	sshra.s32 s19, $0x2;
	v1 =	vld [tilespmem:s18+$0xFFFFFFE0]  }
0x38: {  	s15 =	sadd.s32 s15, s16  }
0x39: {  	s18 =	sadd.s32 $0x40, s18;
	[tilespmem:s15+$0x1830 ss:$0x81] =	vst.msk $0xffff, v3  }
.Ltmp4:
0x3a: {  	_ = 	snop;
	(pc) =	sbr.rel .LBB1_4-.Ltmp4, $1  }
0x3b: {  	_ =	sdelay $0x3  }
.LBB1_6:
0x3c: {  	_ =	sfence.sel $0x180000  }
0x3d: {  	s2 =	simm.s32 $0x1;
	[bflag:$0x0] =	sbarrier.arrive $0xFFFF  }
0x3e: {  	s31 =	simm.s32 $0x2;
	[sflag:s2] =	ssyncpa.u1 $0x1  }
0x3f: {  	[sflag:s31] =	ssyncpa.u1 $0x1  }
0x40: {  	p0 =	sne.s32 s0, $0x0;
	_ =	strace $0x9000004A  }
0x41: {  	s0 =	sadd.s32 @!p0 $0x100000, s1;
	[bflag:$0x2] =	sbarrier.arrive $0xFFFF  }
0x42: {  	[sflag:s0] =	ssyncadd.tile.s32 @!p0 $0x1;
	_ =	shalt  }
.Lfunc_end1:
_tile_overlayer_lowered:
.L_overlay_start_2:
0x43: {  	(tag) =	ssettag $0x2  }
0x44: {  	s0 =	rddreg [dreg:$0x0];
	s2 =	stileid.u32  }
0x45: {  	s1 =	rddreg [dreg:$0x1];
	p0 =	sne.s32 s2, $0x0  }
0x46: {  	s3 =	rddreg [dreg:$0x2];
	[bflag:$0x3] =	sbarrier.arrive $0xFFFF;
	s2 =	simm.s32 @!p0 $0x1C01  }
0x47: {  	[timem:s3], [sflag:s2] =	dma.local @!p0 [hbm:s0], s1  }
0x48: {  	s0 =	simm.s32 @!p0 $0x1  }
0x49: {  	_ =	swait.ge @!p0 [sflag:s0], s1  }
0x4a: {  	s1 =	ssub.s32 @!p0 $0x0, s1;
	[sflag:s0] =	ssyncset.done @!p0 $0x0  }
0x4b: {  	[sflag:s0] =	ssyncadd.s32 @!p0 s1  }
0x4c: {  	[bflag:$0x3] =	sbarrier.arrive $0xFFFF  }
0x4d: {  	_ =	shalt  }

</sc_bundles>
